<compile_context>
chip_gen: v7x
topology: tpu7x:2x2x1
jax: 0.10.2.dev20260603
libtpu: 0.0.44.dev20260713+nightly
codegen_flags: <defaults>
</compile_context>

<pallas_src>
import functools

import jax
import jax.numpy as jnp
from jax import lax
from jax.experimental import pallas as pl
from jax.experimental.pallas import tpu as pltpu
from jax.experimental.pallas import tpu_sc as plsc

N = 16384
C = 1000
NC = 2
NS = 16
NW = NC * NS
TB = N // NW
CB = 40
NCH = C // CB
L = 16


def _onehot_t_body(x_hbm, out_hbm, buf0, buf1, xbuf, sem0, sem1):
    wid = lax.axis_index("s") * NC + lax.axis_index("c")
    col0 = pl.multiple_of(wid * TB, 128)

    pltpu.sync_copy(x_hbm.at[pl.ds(wid * TB, TB)], xbuf)

    zeros = jnp.zeros((L,), jnp.int32)
    ones = jnp.full((L,), 1, jnp.int32)
    iota = lax.iota(jnp.int32, L)

    def _zero_rows(buf):
        def _zero(r, carry):
            for j in range(TB // L):
                buf[r, pl.ds(j * L, L)] = zeros
            return carry

        lax.fori_loop(0, CB, _zero, 0)

    def scatter_chunk(buf, c0, vals):
        def _group(g, carry):
            b0 = g * L
            xv = xbuf[pl.ds(b0, L)]
            rows = xv - c0
            mask = plsc.bitcast(rows, jnp.uint32) < jnp.uint32(CB)
            plsc.store_scatter(buf, [rows, iota + b0], vals, mask=mask)
            return carry

        lax.fori_loop(0, TB // L, _group, 0)

    def fire(buf, c0, sem):
        pltpu.async_copy(
            buf, out_hbm.at[pl.ds(c0, CB), pl.ds(col0, TB)], sem
        )

    def drain(buf, sem):
        pltpu.make_async_copy(
            buf, out_hbm.at[pl.ds(0, CB), pl.ds(col0, TB)], sem
        ).wait()

    _zero_rows(buf0)
    scatter_chunk(buf0, 0, ones)
    fire(buf0, 0, sem0)
    _zero_rows(buf1)
    scatter_chunk(buf1, CB, ones)
    fire(buf1, CB, sem1)

    def _pair(p, carry):
        for b, (buf, sem) in enumerate(((buf0, sem0), (buf1, sem1))):
            c0 = pl.multiple_of((2 * p + b) * CB, 8)
            drain(buf, sem)
            scatter_chunk(buf, c0 - 2 * CB, zeros)
            scatter_chunk(buf, c0, ones)
            fire(buf, c0, sem)
        return carry

    lax.fori_loop(1, (NCH - 1) // 2, _pair, 0)

    drain(buf0, sem0)
    scatter_chunk(buf0, (NCH - 3) * CB, zeros)
    scatter_chunk(buf0, (NCH - 1) * CB, ones)
    fire(buf0, (NCH - 1) * CB, sem0)
    drain(buf1, sem1)
    drain(buf0, sem0)


@functools.partial(
    pl.kernel,
    out_type=jax.ShapeDtypeStruct((C, N), jnp.int32),
    mesh=plsc.VectorSubcoreMesh(
        core_axis_name="c", subcore_axis_name="s", num_cores=NC, num_subcores=NS
    ),
    scratch_types=[
        pltpu.VMEM((CB, TB), jnp.int32),
        pltpu.VMEM((CB, TB), jnp.int32),
        pltpu.VMEM((TB,), jnp.int32),
        pltpu.SemaphoreType.DMA,
        pltpu.SemaphoreType.DMA,
    ],
    compiler_params=pltpu.CompilerParams(needs_layout_passes=False),
)
def _sc_onehot_t(x_hbm, out_hbm, buf0, buf1, xbuf, sem0, sem1):
    _onehot_t_body(x_hbm, out_hbm, buf0, buf1, xbuf, sem0, sem1)


def kernel(x):
    return _sc_onehot_t(x).T

# --- scband reference (transcript-rebuilt; emitter-appended) ---
"""Pipeline reference for scband-one-hot-50955491999920 (READ-ONLY COPY).

The authoritative reference and input builder live on the scoring server;
editing this copy changes nothing except your own understanding.
"""

import jax, jax.numpy as jnp
import numpy as np

NUM_EMBEDDINGS = 1000

def setup_inputs(seed: int = 0) -> dict:
    key = jax.random.key(seed)
    x = jax.random.randint(key, (16384,), 0, NUM_EMBEDDINGS, dtype=jnp.int32)
    return {"x": x}

def reference(x) -> jnp.ndarray:
    # F.one_hot(x, num_classes=NUM_EMBEDDINGS).long()
    # one-hot expansion: compare indices against class range (pure gather/compare, memory bound)
    out = (x[..., None] == jnp.arange(NUM_EMBEDDINGS, dtype=x.dtype)).astype(jnp.int32)
    return out

if __name__ == "__main__":
    import jax
    _d = setup_inputs()
    print(jax.jit(kernel)(*tuple(_d.values())))

</pallas_src>

<mosaic_0001>
#map = affine_map<(d0, d1) -> (0)>
#map1 = affine_map<(d0, d1) -> (0, 0)>
module attributes {stable_mosaic.version = 14 : i64} {
  func.func @_sc_onehot_t(%arg0: i32, %arg1: i32, %arg2: memref<16384xi32, #tpu.memory_space<hbm>>, %arg3: memref<1000x16384xi32, #tpu.memory_space<hbm>>, %arg4: memref<40x512xi32, #tpu.memory_space<vmem>>, %arg5: memref<40x512xi32, #tpu.memory_space<vmem>>, %arg6: memref<512xi32, #tpu.memory_space<vmem>>, %arg7: memref<!tpu.dma_semaphore, #tpu.memory_space<semaphore_mem>>, %arg8: memref<!tpu.dma_semaphore, #tpu.memory_space<semaphore_mem>>) attributes {dimension_semantics = [#tpu.dimension_semantics<core_parallel>, #tpu.dimension_semantics<subcore_parallel>], iteration_bounds = array<i64: 2, 16>, scalar_prefetch = 0 : i64, scratch_operands = 5 : i64, tpu.core_type = #tpu.core_type<sc_vector_subcore>, window_params = [{transform_indices = #map}, {transform_indices = #map1}]} {
    %mul3A = arith.constant 2 : i32
    %mul3A_0 = arith.muli %arg1, %mul3A : i32
    %add3A = arith.addi %mul3A_0, %arg0 : i32
    %mul3A_1 = arith.constant 512 : i32
    %mul3A_2 = arith.muli %add3A, %mul3A_1 : i32
    %multiple_of3A = tpu.assume_multiple %mul3A_2, 128 : i32
    %mul3A_3 = arith.constant 512 : i32
    %mul3A_4 = arith.muli %add3A, %mul3A_3 : i32
    "tpu.region"() ({
      %run_scoped3A = tpu.sem_alloc : memref<!tpu.dma_semaphore, #tpu.memory_space<semaphore_mem>>
      %dma_start3A_71 = tpu.memref_slice %arg2[%mul3A_4] : memref<16384xi32, #tpu.memory_space<hbm>> -> memref<512xi32, #tpu.memory_space<hbm>>
      %dma_start3A_72 = tpu.memref_slice %arg2[%mul3A_4] : memref<16384xi32, #tpu.memory_space<hbm>> -> memref<512xi32, #tpu.memory_space<hbm>>
      tpu.enqueue_dma source(%dma_start3A_72 : memref<512xi32, #tpu.memory_space<hbm>>) target(%arg6 : memref<512xi32, #tpu.memory_space<vmem>>) target_semaphore(%run_scoped3A : memref<!tpu.dma_semaphore, #tpu.memory_space<semaphore_mem>>)
      %dma_wait3A_73 = tpu.memref_slice %arg2[%mul3A_4] : memref<16384xi32, #tpu.memory_space<hbm>> -> memref<512xi32, #tpu.memory_space<hbm>>
      %dma_wait3A_74 = tpu.memref_slice %arg2[%mul3A_4] : memref<16384xi32, #tpu.memory_space<hbm>> -> memref<512xi32, #tpu.memory_space<hbm>>
      tpu.wait_dma2 semaphore(%run_scoped3A : memref<!tpu.dma_semaphore, #tpu.memory_space<semaphore_mem>>) src(%dma_wait3A_74 : memref<512xi32, #tpu.memory_space<hbm>>) dst(%arg6 : memref<512xi32, #tpu.memory_space<vmem>>)
      tpu.yield
    }) : () -> ()
    %broadcast_in_dim3A = arith.constant 0 : i32
    %broadcast_in_dim3A_5 = vector.broadcast %broadcast_in_dim3A : i32 to vector<16xi32>
    %broadcast_in_dim3A_6 = arith.constant 1 : i32
    %broadcast_in_dim3A_7 = vector.broadcast %broadcast_in_dim3A_6 : i32 to vector<16xi32>
    %iota3A = tpu.iota {dimensions = array<i32: 0>} : vector<16xi32>
    %scan3A = arith.constant 0 : i32
    %scan3A_8 = arith.constant 0 : i32
    %scan3A_9 = arith.constant 40 : i32
    %scan3A_10 = arith.addi %scan3A_8, %scan3A_9 : i32
    %scan3A_11 = arith.constant 1 : i32
    scf.for %scan3A_71 = %scan3A_8 to %scan3A_10 step %scan3A_11  : i32 {
      %swap3A = arith.index_cast %scan3A_71 : i32 to index
      %swap3A_72 = arith.constant 0 : index
      %swap3A_73 = tpu.vector_load %arg4[%swap3A, %swap3A_72] {strides = array<i32>} : memref<40x512xi32, #tpu.memory_space<vmem>>, vector<16xi32>,
      tpu.vector_store %arg4[%swap3A, %swap3A_72], %broadcast_in_dim3A_5 {strides = array<i32>} : memref<40x512xi32, #tpu.memory_space<vmem>>, vector<16xi32>,
      %swap3A_74 = arith.index_cast %scan3A_71 : i32 to index
      %swap3A_75 = arith.constant 16 : index
      %swap3A_76 = tpu.vector_load %arg4[%swap3A_74, %swap3A_75] {strides = array<i32>} : memref<40x512xi32, #tpu.memory_space<vmem>>, vector<16xi32>,
      tpu.vector_store %arg4[%swap3A_74, %swap3A_75], %broadcast_in_dim3A_5 {strides = array<i32>} : memref<40x512xi32, #tpu.memory_space<vmem>>, vector<16xi32>,
      %swap3A_77 = arith.index_cast %scan3A_71 : i32 to index
      %swap3A_78 = arith.constant 32 : index
      %swap3A_79 = tpu.vector_load %arg4[%swap3A_77, %swap3A_78] {strides = array<i32>} : memref<40x512xi32, #tpu.memory_space<vmem>>, vector<16xi32>,
      tpu.vector_store %arg4[%swap3A_77, %swap3A_78], %broadcast_in_dim3A_5 {strides = array<i32>} : memref<40x512xi32, #tpu.memory_space<vmem>>, vector<16xi32>,
      %swap3A_80 = arith.index_cast %scan3A_71 : i32 to index
      %swap3A_81 = arith.constant 48 : index
      %swap3A_82 = tpu.vector_load %arg4[%swap3A_80, %swap3A_81] {strides = array<i32>} : memref<40x512xi32, #tpu.memory_space<vmem>>, vector<16xi32>,
      tpu.vector_store %arg4[%swap3A_80, %swap3A_81], %broadcast_in_dim3A_5 {strides = array<i32>} : memref<40x512xi32, #tpu.memory_space<vmem>>, vector<16xi32>,
      %swap3A_83 = arith.index_cast %scan3A_71 : i32 to index
      %swap3A_84 = arith.constant 64 : index
      %swap3A_85 = tpu.vector_load %arg4[%swap3A_83, %swap3A_84] {strides = array<i32>} : memref<40x512xi32, #tpu.memory_space<vmem>>, vector<16xi32>,
      tpu.vector_store %arg4[%swap3A_83, %swap3A_84], %broadcast_in_dim3A_5 {strides = array<i32>} : memref<40x512xi32, #tpu.memory_space<vmem>>, vector<16xi32>,
      %swap3A_86 = arith.index_cast %scan3A_71 : i32 to index
      %swap3A_87 = arith.constant 80 : index
      %swap3A_88 = tpu.vector_load %arg4[%swap3A_86, %swap3A_87] {strides = array<i32>} : memref<40x512xi32, #tpu.memory_space<vmem>>, vector<16xi32>,
      tpu.vector_store %arg4[%swap3A_86, %swap3A_87], %broadcast_in_dim3A_5 {strides = array<i32>} : memref<40x512xi32, #tpu.memory_space<vmem>>, vector<16xi32>,
      %swap3A_89 = arith.index_cast %scan3A_71 : i32 to index
      %swap3A_90 = arith.constant 96 : index
      %swap3A_91 = tpu.vector_load %arg4[%swap3A_89, %swap3A_90] {strides = array<i32>} : memref<40x512xi32, #tpu.memory_space<vmem>>, vector<16xi32>,
      tpu.vector_store %arg4[%swap3A_89, %swap3A_90], %broadcast_in_dim3A_5 {strides = array<i32>} : memref<40x512xi32, #tpu.memory_space<vmem>>, vector<16xi32>,
      %swap3A_92 = arith.index_cast %scan3A_71 : i32 to index
      %swap3A_93 = arith.constant 112 : index
      %swap3A_94 = tpu.vector_load %arg4[%swap3A_92, %swap3A_93] {strides = array<i32>} : memref<40x512xi32, #tpu.memory_space<vmem>>, vector<16xi32>,
      tpu.vector_store %arg4[%swap3A_92, %swap3A_93], %broadcast_in_dim3A_5 {strides = array<i32>} : memref<40x512xi32, #tpu.memory_space<vmem>>, vector<16xi32>,
      %swap3A_95 = arith.index_cast %scan3A_71 : i32 to index
      %swap3A_96 = arith.constant 128 : index
      %swap3A_97 = tpu.vector_load %arg4[%swap3A_95, %swap3A_96] {strides = array<i32>} : memref<40x512xi32, #tpu.memory_space<vmem>>, vector<16xi32>,
      tpu.vector_store %arg4[%swap3A_95, %swap3A_96], %broadcast_in_dim3A_5 {strides = array<i32>} : memref<40x512xi32, #tpu.memory_space<vmem>>, vector<16xi32>,
      %swap3A_98 = arith.index_cast %scan3A_71 : i32 to index
      %swap3A_99 = arith.constant 144 : index
      %swap3A_100 = tpu.vector_load %arg4[%swap3A_98, %swap3A_99] {strides = array<i32>} : memref<40x512xi32, #tpu.memory_space<vmem>>, vector<16xi32>,
      tpu.vector_store %arg4[%swap3A_98, %swap3A_99], %broadcast_in_dim3A_5 {strides = array<i32>} : memref<40x512xi32, #tpu.memory_space<vmem>>, vector<16xi32>,
      %swap3A_101 = arith.index_cast %scan3A_71 : i32 to index
      %swap3A_102 = arith.constant 160 : index
      %swap3A_103 = tpu.vector_load %arg4[%swap3A_101, %swap3A_102] {strides = array<i32>} : memref<40x512xi32, #tpu.memory_space<vmem>>, vector<16xi32>,
      tpu.vector_store %arg4[%swap3A_101, %swap3A_102], %broadcast_in_dim3A_5 {strides = array<i32>} : memref<40x512xi32, #tpu.memory_space<vmem>>, vector<16xi32>,
      %swap3A_104 = arith.index_cast %scan3A_71 : i32 to index
      %swap3A_105 = arith.constant 176 : index
      %swap3A_106 = tpu.vector_load %arg4[%swap3A_104, %swap3A_105] {strides = array<i32>} : memref<40x512xi32, #tpu.memory_space<vmem>>, vector<16xi32>,
      tpu.vector_store %arg4[%swap3A_104, %swap3A_105], %broadcast_in_dim3A_5 {strides = array<i32>} : memref<40x512xi32, #tpu.memory_space<vmem>>, vector<16xi32>,
      %swap3A_107 = arith.index_cast %scan3A_71 : i32 to index
      %swap3A_108 = arith.constant 192 : index
      %swap3A_109 = tpu.vector_load %arg4[%swap3A_107, %swap3A_108] {strides = array<i32>} : memref<40x512xi32, #tpu.memory_space<vmem>>, vector<16xi32>,
      tpu.vector_store %arg4[%swap3A_107, %swap3A_108], %broadcast_in_dim3A_5 {strides = array<i32>} : memref<40x512xi32, #tpu.memory_space<vmem>>, vector<16xi32>,
      %swap3A_110 = arith.index_cast %scan3A_71 : i32 to index
      %swap3A_111 = arith.constant 208 : index
      %swap3A_112 = tpu.vector_load %arg4[%swap3A_110, %swap3A_111] {strides = array<i32>} : memref<40x512xi32, #tpu.memory_space<vmem>>, vector<16xi32>,
      tpu.vector_store %arg4[%swap3A_110, %swap3A_111], %broadcast_in_dim3A_5 {strides = array<i32>} : memref<40x512xi32, #tpu.memory_space<vmem>>, vector<16xi32>,
      %swap3A_113 = arith.index_cast %scan3A_71 : i32 to index
      %swap3A_114 = arith.constant 224 : index
      %swap3A_115 = tpu.vector_load %arg4[%swap3A_113, %swap3A_114] {strides = array<i32>} : memref<40x512xi32, #tpu.memory_space<vmem>>, vector<16xi32>,
      tpu.vector_store %arg4[%swap3A_113, %swap3A_114], %broadcast_in_dim3A_5 {strides = array<i32>} : memref<40x512xi32, #tpu.memory_space<vmem>>, vector<16xi32>,
      %swap3A_116 = arith.index_cast %scan3A_71 : i32 to index
      %swap3A_117 = arith.constant 240 : index
      %swap3A_118 = tpu.vector_load %arg4[%swap3A_116, %swap3A_117] {strides = array<i32>} : memref<40x512xi32, #tpu.memory_space<vmem>>, vector<16xi32>,
      tpu.vector_store %arg4[%swap3A_116, %swap3A_117], %broadcast_in_dim3A_5 {strides = array<i32>} : memref<40x512xi32, #tpu.memory_space<vmem>>, vector<16xi32>,
      %swap3A_119 = arith.index_cast %scan3A_71 : i32 to index
      %swap3A_120 = arith.constant 256 : index
      %swap3A_121 = tpu.vector_load %arg4[%swap3A_119, %swap3A_120] {strides = array<i32>} : memref<40x512xi32, #tpu.memory_space<vmem>>, vector<16xi32>,
      tpu.vector_store %arg4[%swap3A_119, %swap3A_120], %broadcast_in_dim3A_5 {strides = array<i32>} : memref<40x512xi32, #tpu.memory_space<vmem>>, vector<16xi32>,
      %swap3A_122 = arith.index_cast %scan3A_71 : i32 to index
      %swap3A_123 = arith.constant 272 : index
      %swap3A_124 = tpu.vector_load %arg4[%swap3A_122, %swap3A_123] {strides = array<i32>} : memref<40x512xi32, #tpu.memory_space<vmem>>, vector<16xi32>,
      tpu.vector_store %arg4[%swap3A_122, %swap3A_123], %broadcast_in_dim3A_5 {strides = array<i32>} : memref<40x512xi32, #tpu.memory_space<vmem>>, vector<16xi32>,
      %swap3A_125 = arith.index_cast %scan3A_71 : i32 to index
      %swap3A_126 = arith.constant 288 : index
      %swap3A_127 = tpu.vector_load %arg4[%swap3A_125, %swap3A_126] {strides = array<i32>} : memref<40x512xi32, #tpu.memory_space<vmem>>, vector<16xi32>,
      tpu.vector_store %arg4[%swap3A_125, %swap3A_126], %broadcast_in_dim3A_5 {strides = array<i32>} : memref<40x512xi32, #tpu.memory_space<vmem>>, vector<16xi32>,
      %swap3A_128 = arith.index_cast %scan3A_71 : i32 to index
      %swap3A_129 = arith.constant 304 : index
      %swap3A_130 = tpu.vector_load %arg4[%swap3A_128, %swap3A_129] {strides = array<i32>} : memref<40x512xi32, #tpu.memory_space<vmem>>, vector<16xi32>,
      tpu.vector_store %arg4[%swap3A_128, %swap3A_129], %broadcast_in_dim3A_5 {strides = array<i32>} : memref<40x512xi32, #tpu.memory_space<vmem>>, vector<16xi32>,
      %swap3A_131 = arith.index_cast %scan3A_71 : i32 to index
      %swap3A_132 = arith.constant 320 : index
      %swap3A_133 = tpu.vector_load %arg4[%swap3A_131, %swap3A_132] {strides = array<i32>} : memref<40x512xi32, #tpu.memory_space<vmem>>, vector<16xi32>,
      tpu.vector_store %arg4[%swap3A_131, %swap3A_132], %broadcast_in_dim3A_5 {strides = array<i32>} : memref<40x512xi32, #tpu.memory_space<vmem>>, vector<16xi32>,
      %swap3A_134 = arith.index_cast %scan3A_71 : i32 to index
      %swap3A_135 = arith.constant 336 : index
      %swap3A_136 = tpu.vector_load %arg4[%swap3A_134, %swap3A_135] {strides = array<i32>} : memref<40x512xi32, #tpu.memory_space<vmem>>, vector<16xi32>,
      tpu.vector_store %arg4[%swap3A_134, %swap3A_135], %broadcast_in_dim3A_5 {strides = array<i32>} : memref<40x512xi32, #tpu.memory_space<vmem>>, vector<16xi32>,
      %swap3A_137 = arith.index_cast %scan3A_71 : i32 to index
      %swap3A_138 = arith.constant 352 : index
      %swap3A_139 = tpu.vector_load %arg4[%swap3A_137, %swap3A_138] {strides = array<i32>} : memref<40x512xi32, #tpu.memory_space<vmem>>, vector<16xi32>,
      tpu.vector_store %arg4[%swap3A_137, %swap3A_138], %broadcast_in_dim3A_5 {strides = array<i32>} : memref<40x512xi32, #tpu.memory_space<vmem>>, vector<16xi32>,
      %swap3A_140 = arith.index_cast %scan3A_71 : i32 to index
      %swap3A_141 = arith.constant 368 : index
      %swap3A_142 = tpu.vector_load %arg4[%swap3A_140, %swap3A_141] {strides = array<i32>} : memref<40x512xi32, #tpu.memory_space<vmem>>, vector<16xi32>,
      tpu.vector_store %arg4[%swap3A_140, %swap3A_141], %broadcast_in_dim3A_5 {strides = array<i32>} : memref<40x512xi32, #tpu.memory_space<vmem>>, vector<16xi32>,
      %swap3A_143 = arith.index_cast %scan3A_71 : i32 to index
      %swap3A_144 = arith.constant 384 : index
      %swap3A_145 = tpu.vector_load %arg4[%swap3A_143, %swap3A_144] {strides = array<i32>} : memref<40x512xi32, #tpu.memory_space<vmem>>, vector<16xi32>,
      tpu.vector_store %arg4[%swap3A_143, %swap3A_144], %broadcast_in_dim3A_5 {strides = array<i32>} : memref<40x512xi32, #tpu.memory_space<vmem>>, vector<16xi32>,
      %swap3A_146 = arith.index_cast %scan3A_71 : i32 to index
      %swap3A_147 = arith.constant 400 : index
      %swap3A_148 = tpu.vector_load %arg4[%swap3A_146, %swap3A_147] {strides = array<i32>} : memref<40x512xi32, #tpu.memory_space<vmem>>, vector<16xi32>,
      tpu.vector_store %arg4[%swap3A_146, %swap3A_147], %broadcast_in_dim3A_5 {strides = array<i32>} : memref<40x512xi32, #tpu.memory_space<vmem>>, vector<16xi32>,
      %swap3A_149 = arith.index_cast %scan3A_71 : i32 to index
      %swap3A_150 = arith.constant 416 : index
      %swap3A_151 = tpu.vector_load %arg4[%swap3A_149, %swap3A_150] {strides = array<i32>} : memref<40x512xi32, #tpu.memory_space<vmem>>, vector<16xi32>,
      tpu.vector_store %arg4[%swap3A_149, %swap3A_150], %broadcast_in_dim3A_5 {strides = array<i32>} : memref<40x512xi32, #tpu.memory_space<vmem>>, vector<16xi32>,
      %swap3A_152 = arith.index_cast %scan3A_71 : i32 to index
      %swap3A_153 = arith.constant 432 : index
      %swap3A_154 = tpu.vector_load %arg4[%swap3A_152, %swap3A_153] {strides = array<i32>} : memref<40x512xi32, #tpu.memory_space<vmem>>, vector<16xi32>,
      tpu.vector_store %arg4[%swap3A_152, %swap3A_153], %broadcast_in_dim3A_5 {strides = array<i32>} : memref<40x512xi32, #tpu.memory_space<vmem>>, vector<16xi32>,
      %swap3A_155 = arith.index_cast %scan3A_71 : i32 to index
      %swap3A_156 = arith.constant 448 : index
      %swap3A_157 = tpu.vector_load %arg4[%swap3A_155, %swap3A_156] {strides = array<i32>} : memref<40x512xi32, #tpu.memory_space<vmem>>, vector<16xi32>,
      tpu.vector_store %arg4[%swap3A_155, %swap3A_156], %broadcast_in_dim3A_5 {strides = array<i32>} : memref<40x512xi32, #tpu.memory_space<vmem>>, vector<16xi32>,
      %swap3A_158 = arith.index_cast %scan3A_71 : i32 to index
      %swap3A_159 = arith.constant 464 : index
      %swap3A_160 = tpu.vector_load %arg4[%swap3A_158, %swap3A_159] {strides = array<i32>} : memref<40x512xi32, #tpu.memory_space<vmem>>, vector<16xi32>,
      tpu.vector_store %arg4[%swap3A_158, %swap3A_159], %broadcast_in_dim3A_5 {strides = array<i32>} : memref<40x512xi32, #tpu.memory_space<vmem>>, vector<16xi32>,
      %swap3A_161 = arith.index_cast %scan3A_71 : i32 to index
      %swap3A_162 = arith.constant 480 : index
      %swap3A_163 = tpu.vector_load %arg4[%swap3A_161, %swap3A_162] {strides = array<i32>} : memref<40x512xi32, #tpu.memory_space<vmem>>, vector<16xi32>,
      tpu.vector_store %arg4[%swap3A_161, %swap3A_162], %broadcast_in_dim3A_5 {strides = array<i32>} : memref<40x512xi32, #tpu.memory_space<vmem>>, vector<16xi32>,
      %swap3A_164 = arith.index_cast %scan3A_71 : i32 to index
      %swap3A_165 = arith.constant 496 : index
      %swap3A_166 = tpu.vector_load %arg4[%swap3A_164, %swap3A_165] {strides = array<i32>} : memref<40x512xi32, #tpu.memory_space<vmem>>, vector<16xi32>,
      tpu.vector_store %arg4[%swap3A_164, %swap3A_165], %broadcast_in_dim3A_5 {strides = array<i32>} : memref<40x512xi32, #tpu.memory_space<vmem>>, vector<16xi32>,
    }
    %scan3A_12 = arith.constant 40 : i32
    %scan3A_13 = arith.constant 0 : i32
    %scan3A_14 = arith.constant 0 : i32
    %scan3A_15 = arith.constant 32 : i32
    %scan3A_16 = arith.addi %scan3A_14, %scan3A_15 : i32
    %scan3A_17 = arith.constant 1 : i32
    scf.for %scan3A_71 = %scan3A_14 to %scan3A_16 step %scan3A_17  : i32 {
      %mul3A_72 = arith.constant 16 : i32
      %mul3A_73 = arith.muli %scan3A_71, %mul3A_72 : i32
      %get3A = arith.index_cast %mul3A_73 : i32 to index
      %get3A_74 = tpu.vector_load %arg6[%get3A] {strides = array<i32>} : memref<512xi32, #tpu.memory_space<vmem>>, vector<16xi32>,
      %sub3A = arith.constant 0 : i32
      %sub3A_75 = vector.broadcast %sub3A : i32 to vector<16xi32>
      %sub3A_76 = arith.subi %get3A_74, %sub3A_75 : vector<16xi32>
      %bitcast3A = vector.bitcast %sub3A_76 : vector<16xi32> to vector<16xi32>
      %lt3A = arith.constant 40 : i32
      %lt3A_77 = vector.broadcast %lt3A : i32 to vector<16xi32>
      %lt3A_78 = arith.cmpi ult, %bitcast3A, %lt3A_77 : vector<16xi32>
      %add3A_79 = vector.broadcast %mul3A_73 : i32 to vector<16xi32>
      %add3A_80 = arith.addi %iota3A, %add3A_79 : vector<16xi32>
      tpu.vector_store_idx %arg4[%sub3A_76, %add3A_80], %broadcast_in_dim3A_7 masked %lt3A_78 : memref<40x512xi32, #tpu.memory_space<vmem>>[vector<16xi32>, vector<16xi32>], vector<16xi32>, vector<16xi1>
    }
    %scan3A_18 = arith.constant 32 : i32
    %dma_start3A = arith.constant 0 : i32
    %dma_start3A_19 = tpu.memref_slice %arg3[%dma_start3A, %multiple_of3A] : memref<1000x16384xi32, #tpu.memory_space<hbm>> -> memref<40x512xi32, #tpu.memory_space<hbm>>
    %dma_start3A_20 = arith.constant 0 : i32
    %dma_start3A_21 = tpu.memref_slice %arg3[%dma_start3A_20, %multiple_of3A] : memref<1000x16384xi32, #tpu.memory_space<hbm>> -> memref<40x512xi32, #tpu.memory_space<hbm>>
    tpu.enqueue_dma source(%arg4 : memref<40x512xi32, #tpu.memory_space<vmem>>) target(%dma_start3A_21 : memref<40x512xi32, #tpu.memory_space<hbm>>) target_semaphore(%arg7 : memref<!tpu.dma_semaphore, #tpu.memory_space<semaphore_mem>>)
    %scan3A_22 = arith.constant 0 : i32
    %scan3A_23 = arith.constant 0 : i32
    %scan3A_24 = arith.constant 40 : i32
    %scan3A_25 = arith.addi %scan3A_23, %scan3A_24 : i32
    %scan3A_26 = arith.constant 1 : i32
    scf.for %scan3A_71 = %scan3A_23 to %scan3A_25 step %scan3A_26  : i32 {
      %swap3A = arith.index_cast %scan3A_71 : i32 to index
      %swap3A_72 = arith.constant 0 : index
      %swap3A_73 = tpu.vector_load %arg5[%swap3A, %swap3A_72] {strides = array<i32>} : memref<40x512xi32, #tpu.memory_space<vmem>>, vector<16xi32>,
      tpu.vector_store %arg5[%swap3A, %swap3A_72], %broadcast_in_dim3A_5 {strides = array<i32>} : memref<40x512xi32, #tpu.memory_space<vmem>>, vector<16xi32>,
      %swap3A_74 = arith.index_cast %scan3A_71 : i32 to index
      %swap3A_75 = arith.constant 16 : index
      %swap3A_76 = tpu.vector_load %arg5[%swap3A_74, %swap3A_75] {strides = array<i32>} : memref<40x512xi32, #tpu.memory_space<vmem>>, vector<16xi32>,
      tpu.vector_store %arg5[%swap3A_74, %swap3A_75], %broadcast_in_dim3A_5 {strides = array<i32>} : memref<40x512xi32, #tpu.memory_space<vmem>>, vector<16xi32>,
      %swap3A_77 = arith.index_cast %scan3A_71 : i32 to index
      %swap3A_78 = arith.constant 32 : index
      %swap3A_79 = tpu.vector_load %arg5[%swap3A_77, %swap3A_78] {strides = array<i32>} : memref<40x512xi32, #tpu.memory_space<vmem>>, vector<16xi32>,
      tpu.vector_store %arg5[%swap3A_77, %swap3A_78], %broadcast_in_dim3A_5 {strides = array<i32>} : memref<40x512xi32, #tpu.memory_space<vmem>>, vector<16xi32>,
      %swap3A_80 = arith.index_cast %scan3A_71 : i32 to index
      %swap3A_81 = arith.constant 48 : index
      %swap3A_82 = tpu.vector_load %arg5[%swap3A_80, %swap3A_81] {strides = array<i32>} : memref<40x512xi32, #tpu.memory_space<vmem>>, vector<16xi32>,
      tpu.vector_store %arg5[%swap3A_80, %swap3A_81], %broadcast_in_dim3A_5 {strides = array<i32>} : memref<40x512xi32, #tpu.memory_space<vmem>>, vector<16xi32>,
      %swap3A_83 = arith.index_cast %scan3A_71 : i32 to index
      %swap3A_84 = arith.constant 64 : index
      %swap3A_85 = tpu.vector_load %arg5[%swap3A_83, %swap3A_84] {strides = array<i32>} : memref<40x512xi32, #tpu.memory_space<vmem>>, vector<16xi32>,
      tpu.vector_store %arg5[%swap3A_83, %swap3A_84], %broadcast_in_dim3A_5 {strides = array<i32>} : memref<40x512xi32, #tpu.memory_space<vmem>>, vector<16xi32>,
      %swap3A_86 = arith.index_cast %scan3A_71 : i32 to index
      %swap3A_87 = arith.constant 80 : index
      %swap3A_88 = tpu.vector_load %arg5[%swap3A_86, %swap3A_87] {strides = array<i32>} : memref<40x512xi32, #tpu.memory_space<vmem>>, vector<16xi32>,
      tpu.vector_store %arg5[%swap3A_86, %swap3A_87], %broadcast_in_dim3A_5 {strides = array<i32>} : memref<40x512xi32, #tpu.memory_space<vmem>>, vector<16xi32>,
      %swap3A_89 = arith.index_cast %scan3A_71 : i32 to index
      %swap3A_90 = arith.constant 96 : index
      %swap3A_91 = tpu.vector_load %arg5[%swap3A_89, %swap3A_90] {strides = array<i32>} : memref<40x512xi32, #tpu.memory_space<vmem>>, vector<16xi32>,
      tpu.vector_store %arg5[%swap3A_89, %swap3A_90], %broadcast_in_dim3A_5 {strides = array<i32>} : memref<40x512xi32, #tpu.memory_space<vmem>>, vector<16xi32>,
      %swap3A_92 = arith.index_cast %scan3A_71 : i32 to index
      %swap3A_93 = arith.constant 112 : index
      %swap3A_94 = tpu.vector_load %arg5[%swap3A_92, %swap3A_93] {strides = array<i32>} : memref<40x512xi32, #tpu.memory_space<vmem>>, vector<16xi32>,
      tpu.vector_store %arg5[%swap3A_92, %swap3A_93], %broadcast_in_dim3A_5 {strides = array<i32>} : memref<40x512xi32, #tpu.memory_space<vmem>>, vector<16xi32>,
      %swap3A_95 = arith.index_cast %scan3A_71 : i32 to index
      %swap3A_96 = arith.constant 128 : index
      %swap3A_97 = tpu.vector_load %arg5[%swap3A_95, %swap3A_96] {strides = array<i32>} : memref<40x512xi32, #tpu.memory_space<vmem>>, vector<16xi32>,
      tpu.vector_store %arg5[%swap3A_95, %swap3A_96], %broadcast_in_dim3A_5 {strides = array<i32>} : memref<40x512xi32, #tpu.memory_space<vmem>>, vector<16xi32>,
      %swap3A_98 = arith.index_cast %scan3A_71 : i32 to index
      %swap3A_99 = arith.constant 144 : index
      %swap3A_100 = tpu.vector_load %arg5[%swap3A_98, %swap3A_99] {strides = array<i32>} : memref<40x512xi32, #tpu.memory_space<vmem>>, vector<16xi32>,
      tpu.vector_store %arg5[%swap3A_98, %swap3A_99], %broadcast_in_dim3A_5 {strides = array<i32>} : memref<40x512xi32, #tpu.memory_space<vmem>>, vector<16xi32>,
      %swap3A_101 = arith.index_cast %scan3A_71 : i32 to index
      %swap3A_102 = arith.constant 160 : index
      %swap3A_103 = tpu.vector_load %arg5[%swap3A_101, %swap3A_102] {strides = array<i32>} : memref<40x512xi32, #tpu.memory_space<vmem>>, vector<16xi32>,
      tpu.vector_store %arg5[%swap3A_101, %swap3A_102], %broadcast_in_dim3A_5 {strides = array<i32>} : memref<40x512xi32, #tpu.memory_space<vmem>>, vector<16xi32>,
      %swap3A_104 = arith.index_cast %scan3A_71 : i32 to index
      %swap3A_105 = arith.constant 176 : index
      %swap3A_106 = tpu.vector_load %arg5[%swap3A_104, %swap3A_105] {strides = array<i32>} : memref<40x512xi32, #tpu.memory_space<vmem>>, vector<16xi32>,
      tpu.vector_store %arg5[%swap3A_104, %swap3A_105], %broadcast_in_dim3A_5 {strides = array<i32>} : memref<40x512xi32, #tpu.memory_space<vmem>>, vector<16xi32>,
      %swap3A_107 = arith.index_cast %scan3A_71 : i32 to index
      %swap3A_108 = arith.constant 192 : index
      %swap3A_109 = tpu.vector_load %arg5[%swap3A_107, %swap3A_108] {strides = array<i32>} : memref<40x512xi32, #tpu.memory_space<vmem>>, vector<16xi32>,
      tpu.vector_store %arg5[%swap3A_107, %swap3A_108], %broadcast_in_dim3A_5 {strides = array<i32>} : memref<40x512xi32, #tpu.memory_space<vmem>>, vector<16xi32>,
      %swap3A_110 = arith.index_cast %scan3A_71 : i32 to index
      %swap3A_111 = arith.constant 208 : index
      %swap3A_112 = tpu.vector_load %arg5[%swap3A_110, %swap3A_111] {strides = array<i32>} : memref<40x512xi32, #tpu.memory_space<vmem>>, vector<16xi32>,
      tpu.vector_store %arg5[%swap3A_110, %swap3A_111], %broadcast_in_dim3A_5 {strides = array<i32>} : memref<40x512xi32, #tpu.memory_space<vmem>>, vector<16xi32>,
      %swap3A_113 = arith.index_cast %scan3A_71 : i32 to index
      %swap3A_114 = arith.constant 224 : index
      %swap3A_115 = tpu.vector_load %arg5[%swap3A_113, %swap3A_114] {strides = array<i32>} : memref<40x512xi32, #tpu.memory_space<vmem>>, vector<16xi32>,
      tpu.vector_store %arg5[%swap3A_113, %swap3A_114], %broadcast_in_dim3A_5 {strides = array<i32>} : memref<40x512xi32, #tpu.memory_space<vmem>>, vector<16xi32>,
      %swap3A_116 = arith.index_cast %scan3A_71 : i32 to index
      %swap3A_117 = arith.constant 240 : index
      %swap3A_118 = tpu.vector_load %arg5[%swap3A_116, %swap3A_117] {strides = array<i32>} : memref<40x512xi32, #tpu.memory_space<vmem>>, vector<16xi32>,
      tpu.vector_store %arg5[%swap3A_116, %swap3A_117], %broadcast_in_dim3A_5 {strides = array<i32>} : memref<40x512xi32, #tpu.memory_space<vmem>>, vector<16xi32>,
      %swap3A_119 = arith.index_cast %scan3A_71 : i32 to index
      %swap3A_120 = arith.constant 256 : index
      %swap3A_121 = tpu.vector_load %arg5[%swap3A_119, %swap3A_120] {strides = array<i32>} : memref<40x512xi32, #tpu.memory_space<vmem>>, vector<16xi32>,
      tpu.vector_store %arg5[%swap3A_119, %swap3A_120], %broadcast_in_dim3A_5 {strides = array<i32>} : memref<40x512xi32, #tpu.memory_space<vmem>>, vector<16xi32>,
      %swap3A_122 = arith.index_cast %scan3A_71 : i32 to index
      %swap3A_123 = arith.constant 272 : index
      %swap3A_124 = tpu.vector_load %arg5[%swap3A_122, %swap3A_123] {strides = array<i32>} : memref<40x512xi32, #tpu.memory_space<vmem>>, vector<16xi32>,
      tpu.vector_store %arg5[%swap3A_122, %swap3A_123], %broadcast_in_dim3A_5 {strides = array<i32>} : memref<40x512xi32, #tpu.memory_space<vmem>>, vector<16xi32>,
      %swap3A_125 = arith.index_cast %scan3A_71 : i32 to index
      %swap3A_126 = arith.constant 288 : index
      %swap3A_127 = tpu.vector_load %arg5[%swap3A_125, %swap3A_126] {strides = array<i32>} : memref<40x512xi32, #tpu.memory_space<vmem>>, vector<16xi32>,
      tpu.vector_store %arg5[%swap3A_125, %swap3A_126], %broadcast_in_dim3A_5 {strides = array<i32>} : memref<40x512xi32, #tpu.memory_space<vmem>>, vector<16xi32>,
      %swap3A_128 = arith.index_cast %scan3A_71 : i32 to index
      %swap3A_129 = arith.constant 304 : index
      %swap3A_130 = tpu.vector_load %arg5[%swap3A_128, %swap3A_129] {strides = array<i32>} : memref<40x512xi32, #tpu.memory_space<vmem>>, vector<16xi32>,
      tpu.vector_store %arg5[%swap3A_128, %swap3A_129], %broadcast_in_dim3A_5 {strides = array<i32>} : memref<40x512xi32, #tpu.memory_space<vmem>>, vector<16xi32>,
      %swap3A_131 = arith.index_cast %scan3A_71 : i32 to index
      %swap3A_132 = arith.constant 320 : index
      %swap3A_133 = tpu.vector_load %arg5[%swap3A_131, %swap3A_132] {strides = array<i32>} : memref<40x512xi32, #tpu.memory_space<vmem>>, vector<16xi32>,
      tpu.vector_store %arg5[%swap3A_131, %swap3A_132], %broadcast_in_dim3A_5 {strides = array<i32>} : memref<40x512xi32, #tpu.memory_space<vmem>>, vector<16xi32>,
      %swap3A_134 = arith.index_cast %scan3A_71 : i32 to index
      %swap3A_135 = arith.constant 336 : index
      %swap3A_136 = tpu.vector_load %arg5[%swap3A_134, %swap3A_135] {strides = array<i32>} : memref<40x512xi32, #tpu.memory_space<vmem>>, vector<16xi32>,
      tpu.vector_store %arg5[%swap3A_134, %swap3A_135], %broadcast_in_dim3A_5 {strides = array<i32>} : memref<40x512xi32, #tpu.memory_space<vmem>>, vector<16xi32>,
      %swap3A_137 = arith.index_cast %scan3A_71 : i32 to index
      %swap3A_138 = arith.constant 352 : index
      %swap3A_139 = tpu.vector_load %arg5[%swap3A_137, %swap3A_138] {strides = array<i32>} : memref<40x512xi32, #tpu.memory_space<vmem>>, vector<16xi32>,
      tpu.vector_store %arg5[%swap3A_137, %swap3A_138], %broadcast_in_dim3A_5 {strides = array<i32>} : memref<40x512xi32, #tpu.memory_space<vmem>>, vector<16xi32>,
      %swap3A_140 = arith.index_cast %scan3A_71 : i32 to index
      %swap3A_141 = arith.constant 368 : index
      %swap3A_142 = tpu.vector_load %arg5[%swap3A_140, %swap3A_141] {strides = array<i32>} : memref<40x512xi32, #tpu.memory_space<vmem>>, vector<16xi32>,
      tpu.vector_store %arg5[%swap3A_140, %swap3A_141], %broadcast_in_dim3A_5 {strides = array<i32>} : memref<40x512xi32, #tpu.memory_space<vmem>>, vector<16xi32>,
      %swap3A_143 = arith.index_cast %scan3A_71 : i32 to index
      %swap3A_144 = arith.constant 384 : index
      %swap3A_145 = tpu.vector_load %arg5[%swap3A_143, %swap3A_144] {strides = array<i32>} : memref<40x512xi32, #tpu.memory_space<vmem>>, vector<16xi32>,
      tpu.vector_store %arg5[%swap3A_143, %swap3A_144], %broadcast_in_dim3A_5 {strides = array<i32>} : memref<40x512xi32, #tpu.memory_space<vmem>>, vector<16xi32>,
      %swap3A_146 = arith.index_cast %scan3A_71 : i32 to index
      %swap3A_147 = arith.constant 400 : index
      %swap3A_148 = tpu.vector_load %arg5[%swap3A_146, %swap3A_147] {strides = array<i32>} : memref<40x512xi32, #tpu.memory_space<vmem>>, vector<16xi32>,
      tpu.vector_store %arg5[%swap3A_146, %swap3A_147], %broadcast_in_dim3A_5 {strides = array<i32>} : memref<40x512xi32, #tpu.memory_space<vmem>>, vector<16xi32>,
      %swap3A_149 = arith.index_cast %scan3A_71 : i32 to index
      %swap3A_150 = arith.constant 416 : index
      %swap3A_151 = tpu.vector_load %arg5[%swap3A_149, %swap3A_150] {strides = array<i32>} : memref<40x512xi32, #tpu.memory_space<vmem>>, vector<16xi32>,
      tpu.vector_store %arg5[%swap3A_149, %swap3A_150], %broadcast_in_dim3A_5 {strides = array<i32>} : memref<40x512xi32, #tpu.memory_space<vmem>>, vector<16xi32>,
      %swap3A_152 = arith.index_cast %scan3A_71 : i32 to index
      %swap3A_153 = arith.constant 432 : index
      %swap3A_154 = tpu.vector_load %arg5[%swap3A_152, %swap3A_153] {strides = array<i32>} : memref<40x512xi32, #tpu.memory_space<vmem>>, vector<16xi32>,
      tpu.vector_store %arg5[%swap3A_152, %swap3A_153], %broadcast_in_dim3A_5 {strides = array<i32>} : memref<40x512xi32, #tpu.memory_space<vmem>>, vector<16xi32>,
      %swap3A_155 = arith.index_cast %scan3A_71 : i32 to index
      %swap3A_156 = arith.constant 448 : index
      %swap3A_157 = tpu.vector_load %arg5[%swap3A_155, %swap3A_156] {strides = array<i32>} : memref<40x512xi32, #tpu.memory_space<vmem>>, vector<16xi32>,
      tpu.vector_store %arg5[%swap3A_155, %swap3A_156], %broadcast_in_dim3A_5 {strides = array<i32>} : memref<40x512xi32, #tpu.memory_space<vmem>>, vector<16xi32>,
      %swap3A_158 = arith.index_cast %scan3A_71 : i32 to index
      %swap3A_159 = arith.constant 464 : index
      %swap3A_160 = tpu.vector_load %arg5[%swap3A_158, %swap3A_159] {strides = array<i32>} : memref<40x512xi32, #tpu.memory_space<vmem>>, vector<16xi32>,
      tpu.vector_store %arg5[%swap3A_158, %swap3A_159], %broadcast_in_dim3A_5 {strides = array<i32>} : memref<40x512xi32, #tpu.memory_space<vmem>>, vector<16xi32>,
      %swap3A_161 = arith.index_cast %scan3A_71 : i32 to index
      %swap3A_162 = arith.constant 480 : index
      %swap3A_163 = tpu.vector_load %arg5[%swap3A_161, %swap3A_162] {strides = array<i32>} : memref<40x512xi32, #tpu.memory_space<vmem>>, vector<16xi32>,
      tpu.vector_store %arg5[%swap3A_161, %swap3A_162], %broadcast_in_dim3A_5 {strides = array<i32>} : memref<40x512xi32, #tpu.memory_space<vmem>>, vector<16xi32>,
      %swap3A_164 = arith.index_cast %scan3A_71 : i32 to index
      %swap3A_165 = arith.constant 496 : index
      %swap3A_166 = tpu.vector_load %arg5[%swap3A_164, %swap3A_165] {strides = array<i32>} : memref<40x512xi32, #tpu.memory_space<vmem>>, vector<16xi32>,
      tpu.vector_store %arg5[%swap3A_164, %swap3A_165], %broadcast_in_dim3A_5 {strides = array<i32>} : memref<40x512xi32, #tpu.memory_space<vmem>>, vector<16xi32>,
    }
    %scan3A_27 = arith.constant 40 : i32
    %scan3A_28 = arith.constant 0 : i32
    %scan3A_29 = arith.constant 0 : i32
    %scan3A_30 = arith.constant 32 : i32
    %scan3A_31 = arith.addi %scan3A_29, %scan3A_30 : i32
    %scan3A_32 = arith.constant 1 : i32
    scf.for %scan3A_71 = %scan3A_29 to %scan3A_31 step %scan3A_32  : i32 {
      %mul3A_72 = arith.constant 16 : i32
      %mul3A_73 = arith.muli %scan3A_71, %mul3A_72 : i32
      %get3A = arith.index_cast %mul3A_73 : i32 to index
      %get3A_74 = tpu.vector_load %arg6[%get3A] {strides = array<i32>} : memref<512xi32, #tpu.memory_space<vmem>>, vector<16xi32>,
      %sub3A = arith.constant 40 : i32
      %sub3A_75 = vector.broadcast %sub3A : i32 to vector<16xi32>
      %sub3A_76 = arith.subi %get3A_74, %sub3A_75 : vector<16xi32>
      %bitcast3A = vector.bitcast %sub3A_76 : vector<16xi32> to vector<16xi32>
      %lt3A = arith.constant 40 : i32
      %lt3A_77 = vector.broadcast %lt3A : i32 to vector<16xi32>
      %lt3A_78 = arith.cmpi ult, %bitcast3A, %lt3A_77 : vector<16xi32>
      %add3A_79 = vector.broadcast %mul3A_73 : i32 to vector<16xi32>
      %add3A_80 = arith.addi %iota3A, %add3A_79 : vector<16xi32>
      tpu.vector_store_idx %arg5[%sub3A_76, %add3A_80], %broadcast_in_dim3A_7 masked %lt3A_78 : memref<40x512xi32, #tpu.memory_space<vmem>>[vector<16xi32>, vector<16xi32>], vector<16xi32>, vector<16xi1>
    }
    %scan3A_33 = arith.constant 32 : i32
    %dma_start3A_34 = arith.constant 40 : i32
    %dma_start3A_35 = tpu.memref_slice %arg3[%dma_start3A_34, %multiple_of3A] : memref<1000x16384xi32, #tpu.memory_space<hbm>> -> memref<40x512xi32, #tpu.memory_space<hbm>>
    %dma_start3A_36 = arith.constant 40 : i32
    %dma_start3A_37 = tpu.memref_slice %arg3[%dma_start3A_36, %multiple_of3A] : memref<1000x16384xi32, #tpu.memory_space<hbm>> -> memref<40x512xi32, #tpu.memory_space<hbm>>
    tpu.enqueue_dma source(%arg5 : memref<40x512xi32, #tpu.memory_space<vmem>>) target(%dma_start3A_37 : memref<40x512xi32, #tpu.memory_space<hbm>>) target_semaphore(%arg8 : memref<!tpu.dma_semaphore, #tpu.memory_space<semaphore_mem>>)
    %scan3A_38 = arith.constant 0 : i32
    %scan3A_39 = arith.constant 1 : i32
    %scan3A_40 = arith.constant 11 : i32
    %scan3A_41 = arith.addi %scan3A_39, %scan3A_40 : i32
    %scan3A_42 = arith.constant 1 : i32
    scf.for %scan3A_71 = %scan3A_39 to %scan3A_41 step %scan3A_42  : i32 {
      %mul3A_72 = arith.constant 2 : i32
      %mul3A_73 = arith.muli %mul3A_72, %scan3A_71 : i32
      %add3A_74 = arith.constant 0 : i32
      %add3A_75 = arith.addi %mul3A_73, %add3A_74 : i32
      %mul3A_76 = arith.constant 40 : i32
      %mul3A_77 = arith.muli %add3A_75, %mul3A_76 : i32
      %multiple_of3A_78 = tpu.assume_multiple %mul3A_77, 8 : i32
      %dma_wait3A_79 = arith.constant 0 : i32
      %dma_wait3A_80 = tpu.memref_slice %arg3[%dma_wait3A_79, %multiple_of3A] : memref<1000x16384xi32, #tpu.memory_space<hbm>> -> memref<40x512xi32, #tpu.memory_space<hbm>>
      %dma_wait3A_81 = arith.constant 0 : i32
      %dma_wait3A_82 = tpu.memref_slice %arg3[%dma_wait3A_81, %multiple_of3A] : memref<1000x16384xi32, #tpu.memory_space<hbm>> -> memref<40x512xi32, #tpu.memory_space<hbm>>
      tpu.wait_dma2 semaphore(%arg7 : memref<!tpu.dma_semaphore, #tpu.memory_space<semaphore_mem>>) src(%arg4 : memref<40x512xi32, #tpu.memory_space<vmem>>) dst(%dma_wait3A_82 : memref<40x512xi32, #tpu.memory_space<hbm>>)
      %sub3A = arith.constant 80 : i32
      %sub3A_83 = arith.subi %multiple_of3A_78, %sub3A : i32
      %scan3A_84 = arith.constant 0 : i32
      %scan3A_85 = arith.constant 0 : i32
      %scan3A_86 = arith.constant 32 : i32
      %scan3A_87 = arith.addi %scan3A_85, %scan3A_86 : i32
      %scan3A_88 = arith.constant 1 : i32
      scf.for %scan3A_125 = %scan3A_85 to %scan3A_87 step %scan3A_88  : i32 {
        %mul3A_126 = arith.constant 16 : i32
        %mul3A_127 = arith.muli %scan3A_125, %mul3A_126 : i32
        %get3A = arith.index_cast %mul3A_127 : i32 to index
        %get3A_128 = tpu.vector_load %arg6[%get3A] {strides = array<i32>} : memref<512xi32, #tpu.memory_space<vmem>>, vector<16xi32>,
        %sub3A_129 = vector.broadcast %sub3A_83 : i32 to vector<16xi32>
        %sub3A_130 = arith.subi %get3A_128, %sub3A_129 : vector<16xi32>
        %bitcast3A = vector.bitcast %sub3A_130 : vector<16xi32> to vector<16xi32>
        %lt3A = arith.constant 40 : i32
        %lt3A_131 = vector.broadcast %lt3A : i32 to vector<16xi32>
        %lt3A_132 = arith.cmpi ult, %bitcast3A, %lt3A_131 : vector<16xi32>
        %add3A_133 = vector.broadcast %mul3A_127 : i32 to vector<16xi32>
        %add3A_134 = arith.addi %iota3A, %add3A_133 : vector<16xi32>
        tpu.vector_store_idx %arg4[%sub3A_130, %add3A_134], %broadcast_in_dim3A_5 masked %lt3A_132 : memref<40x512xi32, #tpu.memory_space<vmem>>[vector<16xi32>, vector<16xi32>], vector<16xi32>, vector<16xi1>
      }
      %scan3A_89 = arith.constant 32 : i32
      %scan3A_90 = arith.constant 0 : i32
      %scan3A_91 = arith.constant 0 : i32
      %scan3A_92 = arith.constant 32 : i32
      %scan3A_93 = arith.addi %scan3A_91, %scan3A_92 : i32
      %scan3A_94 = arith.constant 1 : i32
      scf.for %scan3A_125 = %scan3A_91 to %scan3A_93 step %scan3A_94  : i32 {
        %mul3A_126 = arith.constant 16 : i32
        %mul3A_127 = arith.muli %scan3A_125, %mul3A_126 : i32
        %get3A = arith.index_cast %mul3A_127 : i32 to index
        %get3A_128 = tpu.vector_load %arg6[%get3A] {strides = array<i32>} : memref<512xi32, #tpu.memory_space<vmem>>, vector<16xi32>,
        %sub3A_129 = vector.broadcast %multiple_of3A_78 : i32 to vector<16xi32>
        %sub3A_130 = arith.subi %get3A_128, %sub3A_129 : vector<16xi32>
        %bitcast3A = vector.bitcast %sub3A_130 : vector<16xi32> to vector<16xi32>
        %lt3A = arith.constant 40 : i32
        %lt3A_131 = vector.broadcast %lt3A : i32 to vector<16xi32>
        %lt3A_132 = arith.cmpi ult, %bitcast3A, %lt3A_131 : vector<16xi32>
        %add3A_133 = vector.broadcast %mul3A_127 : i32 to vector<16xi32>
        %add3A_134 = arith.addi %iota3A, %add3A_133 : vector<16xi32>
        tpu.vector_store_idx %arg4[%sub3A_130, %add3A_134], %broadcast_in_dim3A_7 masked %lt3A_132 : memref<40x512xi32, #tpu.memory_space<vmem>>[vector<16xi32>, vector<16xi32>], vector<16xi32>, vector<16xi1>
      }
      %scan3A_95 = arith.constant 32 : i32
      %dma_start3A_96 = tpu.memref_slice %arg3[%multiple_of3A_78, %multiple_of3A] : memref<1000x16384xi32, #tpu.memory_space<hbm>> -> memref<40x512xi32, #tpu.memory_space<hbm>>
      %dma_start3A_97 = tpu.memref_slice %arg3[%multiple_of3A_78, %multiple_of3A] : memref<1000x16384xi32, #tpu.memory_space<hbm>> -> memref<40x512xi32, #tpu.memory_space<hbm>>
      tpu.enqueue_dma source(%arg4 : memref<40x512xi32, #tpu.memory_space<vmem>>) target(%dma_start3A_97 : memref<40x512xi32, #tpu.memory_space<hbm>>) target_semaphore(%arg7 : memref<!tpu.dma_semaphore, #tpu.memory_space<semaphore_mem>>)
      %mul3A_98 = arith.constant 2 : i32
      %mul3A_99 = arith.muli %mul3A_98, %scan3A_71 : i32
      %add3A_100 = arith.constant 1 : i32
      %add3A_101 = arith.addi %mul3A_99, %add3A_100 : i32
      %mul3A_102 = arith.constant 40 : i32
      %mul3A_103 = arith.muli %add3A_101, %mul3A_102 : i32
      %multiple_of3A_104 = tpu.assume_multiple %mul3A_103, 8 : i32
      %dma_wait3A_105 = arith.constant 0 : i32
      %dma_wait3A_106 = tpu.memref_slice %arg3[%dma_wait3A_105, %multiple_of3A] : memref<1000x16384xi32, #tpu.memory_space<hbm>> -> memref<40x512xi32, #tpu.memory_space<hbm>>
      %dma_wait3A_107 = arith.constant 0 : i32
      %dma_wait3A_108 = tpu.memref_slice %arg3[%dma_wait3A_107, %multiple_of3A] : memref<1000x16384xi32, #tpu.memory_space<hbm>> -> memref<40x512xi32, #tpu.memory_space<hbm>>
      tpu.wait_dma2 semaphore(%arg8 : memref<!tpu.dma_semaphore, #tpu.memory_space<semaphore_mem>>) src(%arg5 : memref<40x512xi32, #tpu.memory_space<vmem>>) dst(%dma_wait3A_108 : memref<40x512xi32, #tpu.memory_space<hbm>>)
      %sub3A_109 = arith.constant 80 : i32
      %sub3A_110 = arith.subi %multiple_of3A_104, %sub3A_109 : i32
      %scan3A_111 = arith.constant 0 : i32
      %scan3A_112 = arith.constant 0 : i32
      %scan3A_113 = arith.constant 32 : i32
      %scan3A_114 = arith.addi %scan3A_112, %scan3A_113 : i32
      %scan3A_115 = arith.constant 1 : i32
      scf.for %scan3A_125 = %scan3A_112 to %scan3A_114 step %scan3A_115  : i32 {
        %mul3A_126 = arith.constant 16 : i32
        %mul3A_127 = arith.muli %scan3A_125, %mul3A_126 : i32
        %get3A = arith.index_cast %mul3A_127 : i32 to index
        %get3A_128 = tpu.vector_load %arg6[%get3A] {strides = array<i32>} : memref<512xi32, #tpu.memory_space<vmem>>, vector<16xi32>,
        %sub3A_129 = vector.broadcast %sub3A_110 : i32 to vector<16xi32>
        %sub3A_130 = arith.subi %get3A_128, %sub3A_129 : vector<16xi32>
        %bitcast3A = vector.bitcast %sub3A_130 : vector<16xi32> to vector<16xi32>
        %lt3A = arith.constant 40 : i32
        %lt3A_131 = vector.broadcast %lt3A : i32 to vector<16xi32>
        %lt3A_132 = arith.cmpi ult, %bitcast3A, %lt3A_131 : vector<16xi32>
        %add3A_133 = vector.broadcast %mul3A_127 : i32 to vector<16xi32>
        %add3A_134 = arith.addi %iota3A, %add3A_133 : vector<16xi32>
        tpu.vector_store_idx %arg5[%sub3A_130, %add3A_134], %broadcast_in_dim3A_5 masked %lt3A_132 : memref<40x512xi32, #tpu.memory_space<vmem>>[vector<16xi32>, vector<16xi32>], vector<16xi32>, vector<16xi1>
      }
      %scan3A_116 = arith.constant 32 : i32
      %scan3A_117 = arith.constant 0 : i32
      %scan3A_118 = arith.constant 0 : i32
      %scan3A_119 = arith.constant 32 : i32
      %scan3A_120 = arith.addi %scan3A_118, %scan3A_119 : i32
      %scan3A_121 = arith.constant 1 : i32
      scf.for %scan3A_125 = %scan3A_118 to %scan3A_120 step %scan3A_121  : i32 {
        %mul3A_126 = arith.constant 16 : i32
        %mul3A_127 = arith.muli %scan3A_125, %mul3A_126 : i32
        %get3A = arith.index_cast %mul3A_127 : i32 to index
        %get3A_128 = tpu.vector_load %arg6[%get3A] {strides = array<i32>} : memref<512xi32, #tpu.memory_space<vmem>>, vector<16xi32>,
        %sub3A_129 = vector.broadcast %multiple_of3A_104 : i32 to vector<16xi32>
        %sub3A_130 = arith.subi %get3A_128, %sub3A_129 : vector<16xi32>
        %bitcast3A = vector.bitcast %sub3A_130 : vector<16xi32> to vector<16xi32>
        %lt3A = arith.constant 40 : i32
        %lt3A_131 = vector.broadcast %lt3A : i32 to vector<16xi32>
        %lt3A_132 = arith.cmpi ult, %bitcast3A, %lt3A_131 : vector<16xi32>
        %add3A_133 = vector.broadcast %mul3A_127 : i32 to vector<16xi32>
        %add3A_134 = arith.addi %iota3A, %add3A_133 : vector<16xi32>
        tpu.vector_store_idx %arg5[%sub3A_130, %add3A_134], %broadcast_in_dim3A_7 masked %lt3A_132 : memref<40x512xi32, #tpu.memory_space<vmem>>[vector<16xi32>, vector<16xi32>], vector<16xi32>, vector<16xi1>
      }
      %scan3A_122 = arith.constant 32 : i32
      %dma_start3A_123 = tpu.memref_slice %arg3[%multiple_of3A_104, %multiple_of3A] : memref<1000x16384xi32, #tpu.memory_space<hbm>> -> memref<40x512xi32, #tpu.memory_space<hbm>>
      %dma_start3A_124 = tpu.memref_slice %arg3[%multiple_of3A_104, %multiple_of3A] : memref<1000x16384xi32, #tpu.memory_space<hbm>> -> memref<40x512xi32, #tpu.memory_space<hbm>>
      tpu.enqueue_dma source(%arg5 : memref<40x512xi32, #tpu.memory_space<vmem>>) target(%dma_start3A_124 : memref<40x512xi32, #tpu.memory_space<hbm>>) target_semaphore(%arg8 : memref<!tpu.dma_semaphore, #tpu.memory_space<semaphore_mem>>)
    }
    %scan3A_43 = arith.constant 11 : i32
    %dma_wait3A = arith.constant 0 : i32
    %dma_wait3A_44 = tpu.memref_slice %arg3[%dma_wait3A, %multiple_of3A] : memref<1000x16384xi32, #tpu.memory_space<hbm>> -> memref<40x512xi32, #tpu.memory_space<hbm>>
    %dma_wait3A_45 = arith.constant 0 : i32
    %dma_wait3A_46 = tpu.memref_slice %arg3[%dma_wait3A_45, %multiple_of3A] : memref<1000x16384xi32, #tpu.memory_space<hbm>> -> memref<40x512xi32, #tpu.memory_space<hbm>>
    tpu.wait_dma2 semaphore(%arg7 : memref<!tpu.dma_semaphore, #tpu.memory_space<semaphore_mem>>) src(%arg4 : memref<40x512xi32, #tpu.memory_space<vmem>>) dst(%dma_wait3A_46 : memref<40x512xi32, #tpu.memory_space<hbm>>)
    %scan3A_47 = arith.constant 0 : i32
    %scan3A_48 = arith.constant 0 : i32
    %scan3A_49 = arith.constant 32 : i32
    %scan3A_50 = arith.addi %scan3A_48, %scan3A_49 : i32
    %scan3A_51 = arith.constant 1 : i32
    scf.for %scan3A_71 = %scan3A_48 to %scan3A_50 step %scan3A_51  : i32 {
      %mul3A_72 = arith.constant 16 : i32
      %mul3A_73 = arith.muli %scan3A_71, %mul3A_72 : i32
      %get3A = arith.index_cast %mul3A_73 : i32 to index
      %get3A_74 = tpu.vector_load %arg6[%get3A] {strides = array<i32>} : memref<512xi32, #tpu.memory_space<vmem>>, vector<16xi32>,
      %sub3A = arith.constant 880 : i32
      %sub3A_75 = vector.broadcast %sub3A : i32 to vector<16xi32>
      %sub3A_76 = arith.subi %get3A_74, %sub3A_75 : vector<16xi32>
      %bitcast3A = vector.bitcast %sub3A_76 : vector<16xi32> to vector<16xi32>
      %lt3A = arith.constant 40 : i32
      %lt3A_77 = vector.broadcast %lt3A : i32 to vector<16xi32>
      %lt3A_78 = arith.cmpi ult, %bitcast3A, %lt3A_77 : vector<16xi32>
      %add3A_79 = vector.broadcast %mul3A_73 : i32 to vector<16xi32>
      %add3A_80 = arith.addi %iota3A, %add3A_79 : vector<16xi32>
      tpu.vector_store_idx %arg4[%sub3A_76, %add3A_80], %broadcast_in_dim3A_5 masked %lt3A_78 : memref<40x512xi32, #tpu.memory_space<vmem>>[vector<16xi32>, vector<16xi32>], vector<16xi32>, vector<16xi1>
    }
    %scan3A_52 = arith.constant 32 : i32
    %scan3A_53 = arith.constant 0 : i32
    %scan3A_54 = arith.constant 0 : i32
    %scan3A_55 = arith.constant 32 : i32
    %scan3A_56 = arith.addi %scan3A_54, %scan3A_55 : i32
    %scan3A_57 = arith.constant 1 : i32
    scf.for %scan3A_71 = %scan3A_54 to %scan3A_56 step %scan3A_57  : i32 {
      %mul3A_72 = arith.constant 16 : i32
      %mul3A_73 = arith.muli %scan3A_71, %mul3A_72 : i32
      %get3A = arith.index_cast %mul3A_73 : i32 to index
      %get3A_74 = tpu.vector_load %arg6[%get3A] {strides = array<i32>} : memref<512xi32, #tpu.memory_space<vmem>>, vector<16xi32>,
      %sub3A = arith.constant 960 : i32
      %sub3A_75 = vector.broadcast %sub3A : i32 to vector<16xi32>
      %sub3A_76 = arith.subi %get3A_74, %sub3A_75 : vector<16xi32>
      %bitcast3A = vector.bitcast %sub3A_76 : vector<16xi32> to vector<16xi32>
      %lt3A = arith.constant 40 : i32
      %lt3A_77 = vector.broadcast %lt3A : i32 to vector<16xi32>
      %lt3A_78 = arith.cmpi ult, %bitcast3A, %lt3A_77 : vector<16xi32>
      %add3A_79 = vector.broadcast %mul3A_73 : i32 to vector<16xi32>
      %add3A_80 = arith.addi %iota3A, %add3A_79 : vector<16xi32>
      tpu.vector_store_idx %arg4[%sub3A_76, %add3A_80], %broadcast_in_dim3A_7 masked %lt3A_78 : memref<40x512xi32, #tpu.memory_space<vmem>>[vector<16xi32>, vector<16xi32>], vector<16xi32>, vector<16xi1>
    }
    %scan3A_58 = arith.constant 32 : i32
    %dma_start3A_59 = arith.constant 960 : i32
    %dma_start3A_60 = tpu.memref_slice %arg3[%dma_start3A_59, %multiple_of3A] : memref<1000x16384xi32, #tpu.memory_space<hbm>> -> memref<40x512xi32, #tpu.memory_space<hbm>>
    %dma_start3A_61 = arith.constant 960 : i32
    %dma_start3A_62 = tpu.memref_slice %arg3[%dma_start3A_61, %multiple_of3A] : memref<1000x16384xi32, #tpu.memory_space<hbm>> -> memref<40x512xi32, #tpu.memory_space<hbm>>
    tpu.enqueue_dma source(%arg4 : memref<40x512xi32, #tpu.memory_space<vmem>>) target(%dma_start3A_62 : memref<40x512xi32, #tpu.memory_space<hbm>>) target_semaphore(%arg7 : memref<!tpu.dma_semaphore, #tpu.memory_space<semaphore_mem>>)
    %dma_wait3A_63 = arith.constant 0 : i32
    %dma_wait3A_64 = tpu.memref_slice %arg3[%dma_wait3A_63, %multiple_of3A] : memref<1000x16384xi32, #tpu.memory_space<hbm>> -> memref<40x512xi32, #tpu.memory_space<hbm>>
    %dma_wait3A_65 = arith.constant 0 : i32
    %dma_wait3A_66 = tpu.memref_slice %arg3[%dma_wait3A_65, %multiple_of3A] : memref<1000x16384xi32, #tpu.memory_space<hbm>> -> memref<40x512xi32, #tpu.memory_space<hbm>>
    tpu.wait_dma2 semaphore(%arg8 : memref<!tpu.dma_semaphore, #tpu.memory_space<semaphore_mem>>) src(%arg5 : memref<40x512xi32, #tpu.memory_space<vmem>>) dst(%dma_wait3A_66 : memref<40x512xi32, #tpu.memory_space<hbm>>)
    %dma_wait3A_67 = arith.constant 0 : i32
    %dma_wait3A_68 = tpu.memref_slice %arg3[%dma_wait3A_67, %multiple_of3A] : memref<1000x16384xi32, #tpu.memory_space<hbm>> -> memref<40x512xi32, #tpu.memory_space<hbm>>
    %dma_wait3A_69 = arith.constant 0 : i32
    %dma_wait3A_70 = tpu.memref_slice %arg3[%dma_wait3A_69, %multiple_of3A] : memref<1000x16384xi32, #tpu.memory_space<hbm>> -> memref<40x512xi32, #tpu.memory_space<hbm>>
    tpu.wait_dma2 semaphore(%arg7 : memref<!tpu.dma_semaphore, #tpu.memory_space<semaphore_mem>>) src(%arg4 : memref<40x512xi32, #tpu.memory_space<vmem>>) dst(%dma_wait3A_70 : memref<40x512xi32, #tpu.memory_space<hbm>>)
    return
  }
}

</mosaic_0001>

<sc_bundles>
// kernel: kernel.3.cloned.1.call-start
scs
__scs_entry_jumppad:
0x0: {  	(pc) =	sbr.rel $0x88, $3  }
0x1: {  	(tag) =	ssettag $0x0;
	lr =	simm.s32 $0x1  }
0x2: {  	[smem:$0x3FA0] =	sst lr;
	_ =	strace $0xD0000000  }
0x3: {  	_ = 	snop  }
0x4: {  	_ = 	snop  }
0x5: {  	_ = 	snop  }
0x6: {  	_ = 	snop  }
0x7: {  	_ = 	snop  }
__scs_overlays_trampoline_lowered:
0x8: {  	[smem:$0x3FAF] =	sst s0  }
0x9: {  	[smem:$0x3FB0] =	sst s1  }
0xa: {  	[smem:$0x3FB1] =	sst s2  }
0xb: {  	[smem:$0x3FB2] =	sst s3  }
0xc: {  	[smem:$0x3FB3] =	sst s4  }
0xd: {  	[smem:$0x3FB4] =	sst s5  }
0xe: {  	[smem:$0x3FB5] =	sst s6  }
0xf: {  	[smem:$0x3FB6] =	sst s7  }
0x10: {  	[smem:$0x3FB7] =	sst s8  }
0x11: {  	[smem:$0x3FB8] =	sst s9;
	s0 =	simm.s32 @!p0 $0x0  }
0x12: {  	s1 =	sld [smem:$0x3F9E];
	s0 =	simm.s32 @p0 $0x1  }
0x13: {  	[smem:$0x3FB9] =	sst s0;
	s0 =	simm.s32 @!p1 $0x0  }
0x14: {  	s2 =	sld [smem:$0x3F9D];
	s0 =	simm.s32 @p1 $0x1  }
0x15: {  	[smem:$0x3FBA] =	sst s0;
	s0 =	simm.s32 @!p2 $0x0  }
0x16: {  	s3 =	sld [smem:$0x3FDB];
	s0 =	simm.s32 @p2 $0x1  }
0x17: {  	s4 =	simm.s32 $0x1BF5;
	[smem:$0x3FBC] =	sst s0  }
0x18: {  	s0 =	sld [smem:$0x3F9F];
	_ =	swait.ge [sflag:s4], $0x0  }
0x19: {  	s7 =	sld [smem:$0x3FA0]  }
0x1a: {  	s8 =	sadd.s32 $0xFFFFE003, lr  }
0x1b: {  	s9 =	sadd.s32 $0xFFFFFEF7, lr;
	s5 =	simm.s32 $0xFFFFFFFF;
	p2 =	slt.u32 s8, $0xFFFFF086  }
0x1c: {  	p1 =	slt.u32 s9, $0xF7A;
	s5 =	simm.s32 @!p2 $0x0  }
0x1d: {  	s5 =	simm.s32 @p1 $0x1;
	p0 =	seq.s32 s7, s2  }
0x1e: {  	s7 =	smul.u32 @!p0 $0xF7A, s2;
	p2 =	seq.s32 @!p0 s5, $0x0  }
0x1f: {  	s9 =	smul.u32 $0xF7A, s1;
	s8 =	simm.s32 @!p0 $0x1BF5;
	p2 =	por !p2, p0  }
0x20: {  	[sflag:s8] =	ssyncset.s32 @!p0 $0xFFFFF086;
	s6 =	sadd.s32 @!p0 s3, s7;
	s7 =	simm.s32 @!p0 $0x108  }
0x21: {  	s3 =	sadd.s32 s3, s9;
	s6 =	sadd.s32 @!p0 $0x88, s6;
	s7 =	simm.s32 @p2 $0x1082  }
0x22: {  	[simem:s7], [sflag:s8] =	dma.local @!p0 [hbm:s6], $0xF7A  }
0x23: {  	s9 =	sor.u32 $0xD0000000, s2;
	s6 =	simm.s32 $0x108;
	_ =	swait.ge @!p0 [sflag:s8], $0x0  }
0x24: {  	s3 =	sadd.s32 $0x88, s3;
	s6 =	simm.s32 @!p1 $0x1082;
	[sflag:s4] =	ssyncset.s32 $0xFFFFF086  }
0x25: {  	[simem:s6], [sflag:s4] =	dma.local [hbm:s3], $0xF7A  }
0x26: {  	[smem:$0x3FA0] =	sst s1;
	(tag) =	ssettag s2;
	_ =	strace s9  }
0x27: {  	s1 =	sld [smem:$0x3FB0]  }
0x28: {  	s2 =	sld [smem:$0x3FB1]  }
0x29: {  	s4 =	sld [smem:$0x3FB3]  }
0x2a: {  	p0 =	seq.s32 s5, $0x0;
	s5 =	sld [smem:$0x3FB4]  }
0x2b: {  	s6 =	sld [smem:$0x3FB5]  }
0x2c: {  	s7 =	sld [smem:$0x3FB6]  }
0x2d: {  	s3 =	simm.s32 $0x108;
	s8 =	sld [smem:$0x3FB7]  }
0x2e: {  	s3 =	simm.s32 @!p0 $0x1082;
	s9 =	sld [smem:$0x3FB8]  }
0x2f: {  	lr =	sadd.s32 s0, s3;
	s0 =	sld [smem:$0x3FAF]  }
0x30: {  	s3 =	sld [smem:$0x3FB2]  }
0x31: {  	[smem:$0x3FBB] =	sst s10  }
0x32: {  	s10 =	sld [smem:$0x3FB9];
	_ =	sdelay $0x3  }
0x33: {  	p0 =	seq.s32 s10, $0x1;
	s10 =	sld [smem:$0x3FBB];
	_ =	sdelay $0x3  }
0x34: {  	[smem:$0x3FBB] =	sst s10  }
0x35: {  	s10 =	sld [smem:$0x3FBA];
	_ =	sdelay $0x3  }
0x36: {  	p1 =	seq.s32 s10, $0x1;
	s10 =	sld [smem:$0x3FBB];
	_ =	sdelay $0x3  }
0x37: {  	[smem:$0x3FBB] =	sst s10  }
0x38: {  	s10 =	sld [smem:$0x3FBC]  }
0x39: {  	_ = 	snop;
	(pc) =	sbr.ind lr, $3  }
0x3a: {  	_ = 	snop  }
0x3b: {  	_ = 	snop  }
0x3c: {  	p2 =	seq.s32 s10, $0x1;
	s10 =	sld [smem:$0x3FBB]  }
0x3d: {  	_ =	shalt  }
0x3e: {  	_ =	shalt  }
0x3f: {  	_ =	shalt  }
0x40: {  	_ =	shalt  }
0x41: {  	_ =	shalt  }
0x42: {  	_ =	shalt  }
0x43: {  	_ =	shalt  }
0x44: {  	_ =	shalt  }
0x45: {  	_ =	shalt  }
0x46: {  	_ =	shalt  }
0x47: {  	_ =	shalt  }
0x48: {  	_ =	shalt  }
0x49: {  	_ =	shalt  }
0x4a: {  	_ =	shalt  }
0x4b: {  	_ =	shalt  }
0x4c: {  	_ =	shalt  }
0x4d: {  	_ =	shalt  }
0x4e: {  	_ =	shalt  }
0x4f: {  	_ =	shalt  }
0x50: {  	_ =	shalt  }
0x51: {  	_ =	shalt  }
0x52: {  	_ =	shalt  }
0x53: {  	_ =	shalt  }
0x54: {  	_ =	shalt  }
0x55: {  	_ =	shalt  }
0x56: {  	_ =	shalt  }
0x57: {  	_ =	shalt  }
0x58: {  	_ =	shalt  }
0x59: {  	_ =	shalt  }
0x5a: {  	_ =	shalt  }
0x5b: {  	_ =	shalt  }
0x5c: {  	_ =	shalt  }
0x5d: {  	_ =	shalt  }
0x5e: {  	_ =	shalt  }
0x5f: {  	_ =	shalt  }
0x60: {  	_ =	shalt  }
0x61: {  	_ =	shalt  }
0x62: {  	_ =	shalt  }
0x63: {  	_ =	shalt  }
0x64: {  	_ =	shalt  }
0x65: {  	_ =	shalt  }
0x66: {  	_ =	shalt  }
0x67: {  	_ =	shalt  }
0x68: {  	_ =	shalt  }
0x69: {  	_ =	shalt  }
0x6a: {  	_ =	shalt  }
0x6b: {  	_ =	shalt  }
0x6c: {  	_ =	shalt  }
0x6d: {  	_ =	shalt  }
0x6e: {  	_ =	shalt  }
0x6f: {  	_ =	shalt  }
0x70: {  	_ =	shalt  }
0x71: {  	_ =	shalt  }
0x72: {  	_ =	shalt  }
0x73: {  	_ =	shalt  }
0x74: {  	_ =	shalt  }
0x75: {  	_ =	shalt  }
0x76: {  	_ =	shalt  }
0x77: {  	_ =	shalt  }
0x78: {  	_ =	shalt  }
0x79: {  	_ =	shalt  }
0x7a: {  	_ =	shalt  }
0x7b: {  	_ =	shalt  }
0x7c: {  	_ =	shalt  }
0x7d: {  	_ =	shalt  }
0x7e: {  	_ =	shalt  }
0x7f: {  	_ =	shalt  }
0x80: {  	_ =	shalt  }
0x81: {  	_ =	shalt  }
0x82: {  	_ =	shalt  }
0x83: {  	_ =	shalt  }
0x84: {  	_ =	shalt  }
0x85: {  	_ =	shalt  }
0x86: {  	_ =	shalt  }
0x87: {  	_ =	shalt  }
.Lfunc_end0:
.L_simem_size_0:
called_computation_lowered:
.L_overlay_start_0:
0x88: {  	s2 =	sld [smem:$0x3FD9]  }
0x89: {  	s3 =	sld [smem:$0x3FFE];
	_ =	sdelay $0x1  }
0x8a: {  	s1 =	srdreg.scid  }
0x8b: {  	s0 =	sand.u32 $0x1, s1  }
0x8c: {  	s18 =	sshll.u32 s0, $0xA;
	s2 =	sadd.s32 s3, s2  }
0x8d: {  	s2 =	sadd.s32 s2, s18  }
0x8e: {  	[smem:$0x3FC7] =	sst s2  }
0x8f: {  	_ = 	snop  }
0x90: {  	s2 =	sld [smem:$0x3FC9]  }
0x91: {  	s19 =	sld [smem:$0x3FD0];
	(tm) =	ssettm $0x1  }
0x92: {  	s4 =	sld [smem:$0x3FFB];
	_ =	sdelay $0x3  }
0x93: {  	_ =	strace s4  }
0x94: {  	s4 =	sld [smem:$0x3FFC];
	_ =	sdelay $0x3  }
0x95: {  	_ =	strace s4  }
0x96: {  	s4 =	sld [smem:$0x3FFD];
	_ =	sdelay $0x3  }
0x97: {  	_ =	strace s4  }
0x98: {  	_ =	strace $0x8FFFFFFF  }
0x99: {  	s20 =	sld [smem:$0x3FDB];
	_ =	sdelay $0x1  }
0x9a: {  	s5 =	simm.s32 $_scs_section_size  }
0x9b: {  	s6 =	simm.s32 $_size__tile_overlayer_lowered;
	s7 =	simm.s32 $_tile_overlayer_lowered  }
0x9c: {  	s23 =	simm.s32 $0x1BFF;
	s22 =	sshll.u32 s7, $0x1;
	s4 =	sadd.s32 s5, s20  }
0x9d: {  	s8 =	simm.s32 $0x0;
	s21 =	sshll.u32 s6, $0x1;
	s6 =	sadd.s32 s22, s4  }
0x9e: {  	[timem:s8], [sflag:s23] =	dma.local [hbm:s6], s21  }
0x9f: {  	_ =	swait.ge [sflag:s23], s21  }
0xa0: {  	s5 =	ssub.s32 $0x0, s21;
	[sflag:s23] =	ssyncset.done $0x0  }
0xa1: {  	[sflag:s23] =	ssyncadd.s32 s5;
	_ =	sdelay $0x1  }
0xa2: {  	s24 =	simm.s32 $0x1B8B  }
0xa3: {  	_ =	swait.ge [sflag:s24], $0x1  }
0xa4: {  	[sflag:s24] =	ssyncset.done $0x0  }
0xa5: {  	s25 =	simm.s32 $0x1B8E;
	[sflag:s24] =	ssyncadd.s32 $0xFFFFFFFF  }
0xa6: {  	s26 =	simm.s32 $execute0_lowered;
	[smem:$0x3FD2] =	sst s25  }
0xa7: {  	s5 =	sshll.u32 s26, $0x1;
	_ =	strace $0x80000046;
	[dreg:$0x1] =	wrdreg $0xFFFFFFFF  }
0xa8: {  	s28 =	simm.s32 $_size_execute0_lowered;
	s4 =	sadd.s32 s4, s5;
	[dreg:$0x0] =	wrdreg $0x0  }
0xa9: {  	s5 =	sshll.u32 s28, $0x1;
	[dreg:$0x2] =	wrdreg s4  }
0xaa: {  	[dreg:$0x3] =	wrdreg s5  }
0xab: {  	[dreg:$0x4] =	wrdreg $0xC0  }
0xac: {  	_ =	task [dreg:s8], $0x5FFFF  }
0xad: {  	[dreg:$0x1] =	wrdreg $0xFFFFFFFF  }
0xae: {  	[dreg:$0x0] =	wrdreg $0x60  }
0xaf: {  	[dreg:$0x2] =	wrdreg s2  }
0xb0: {  	[dreg:$0x3] =	wrdreg s19  }
0xb1: {  	[dreg:$0x4] =	wrdreg $0x9  }
0xb2: {  	_ =	task.clear_ibuf [dreg:s8], $0x5FFFF;
	_ =	strace $0x90000046  }
0xb3: {  	s29 =	simm.s32 $0x9;
	_ =	strace $0x80000048  }
0xb4: {  	_ =	swait.ge [sflag:s29], $0x1  }
0xb5: {  	[sflag:s29] =	ssyncadd.s32 $0xFFFFFFFF  }
0xb6: {  	_ =	strace $0x90000048  }
0xb7: {  	_ =	sfence  }
0xb8: {  	s30 =	sld [smem:$0x0];
	_ =	sdelay $0x2  }
0xb9: {  	s31 =	sshll.u32 s1, $0xD;
	s1 =	sshrl.u32 s1, $0x2  }
0xba: {  	s3 =	sand.u32 $0x4000, s31;
	s1 =	sadd.s32 s1, s30  }
0xbb: {  	s0 =	sor.u32 s3, s0;
	s1 =	sshll.u32 s1, $0x11  }
0xbc: {  	s0 =	sor.u32 s1, s0  }
0xbd: {  	s0 =	sadd.s32 $0x8F2B, s0  }
0xbe: {  	[sflag:s0] =	ssyncadd.remote.s32 $0x1  }
0xbf: {  	_ =	sfence.sel $0xFFFF  }
0xc0: {  	[dreg:$0x0] =	wrdreg $0xFFFFFFFF;
	(pc) =	sbr.abs _section_cstart, $3  }
0xc1: {  	[dreg:$0x1] =	wrdreg $0xFFFFFFFF  }
0xc2: {  	_ =	task.clear_ibuf [dreg:s8], $0x2FFFF;
	_ =	strace $0x9FFFFFFF  }
0xc3: {  	(tm) =	ssettm $0x7FFFFFFF  }
tec
execute0_lowered:
.L_overlay_start_1:
0x0: {  	(tag) =	ssettag $0x1  }
0x1: {  	s4 =	rddreg [dreg:$0x0]  }
0x2: {  	s3 =	rddreg [dreg:$0x1]  }
0x3: {  	s0 =	rddreg [dreg:$0x2];
	s2 =	simm.s32 $0x0;
	s5 =	srdreg.scid  }
0x4: {  	s1 =	stileid.u32;
	s9 =	simm.s32 $0x3;
	s10 =	simm.s32 $0x1000  }
0x5: {  	s11 =	simm.s32 $0x20000;
	s12 =	simm.s32 $0x5000;
	s13 =	simm.s32 $0x1  }
0x6: {  	s14 =	simm.s32 $0x2;
	s15 =	simm.s32 $0x0;
	s5 =	sand.u32 $0x1, s5  }
0x7: {  	s7 =	sshll.u32 s1, $0xA;
	s6 =	ssub.s32 $0x2, s5;
	s5 =	sshll.u32 s5, $0x9  }
0x8: {  	[smem:$0x7FF] =	sst s2;
	s8 =	sshrl.u32 s6, $0x1;
	s5 =	sor.u32 s5, s7  }
0x9: {  	_ =	strace $0x80000047;
	s30 =	ssub.s32 s6, s8;
	s31 =	sshrl.u32 s5, $0x3  }
0xa: {  	s3 =	sadd.s32 s3, s5;
	s8 =	simm.s32 $0xA000;
	s4 =	sadd.s32 s4, s31  }
0xb: {  	v0 =	vimm.s32 $0x0;
	v1 =	vlaneseq.u32;
	v2 =	vimm.s32 $0x1;
	s5 =	sadd.s32 $0x14000, s3;
	s6 =	sadd.s32 $0x1E0000, s3;
	s7 =	smax.u32 s30, $0x1  }
.LBB2_1:
0xc: {  	[tilespmem:s8], [sflag:$0x3] =	stream.linear.gather [hbm4b:s4+s2], $0x200, $0x38;
	[tilespmem:$0xA200] =	vst v63  }
0xd: {  	_ =	swait.ge [sflag:s9], $0x200  }
0xe: {  	s16 =	sand.u32 $0x7000, s2;
	s17 =	sand.u32 $0x380, s2;
	[sflag:s9] =	ssyncset.done $0x0  }
0xf: {  	s16 =	sor.u32 s17, s16;
	[sflag:s9] =	ssyncadd.s32 $0xFFFFFE00  }
0x10: {  	[tilespmem:s16+$0xC70] =	vst v0  }
0x11: {  	[tilespmem:s16+$0x0] =	vst v0  }
0x12: {  	[tilespmem:s16+$0x10] =	vst v0  }
0x13: {  	[tilespmem:s16+$0x20] =	vst v0  }
0x14: {  	[tilespmem:s16+$0x30] =	vst v0  }
0x15: {  	[tilespmem:s16+$0x40] =	vst v0  }
0x16: {  	[tilespmem:s16+$0x50] =	vst v0  }
0x17: {  	[tilespmem:s16+$0x60] =	vst v0  }
0x18: {  	[tilespmem:s16+$0x70] =	vst v0  }
0x19: {  	[tilespmem:s16+$0x400] =	vst v0  }
0x1a: {  	[tilespmem:s16+$0x410] =	vst v0  }
0x1b: {  	[tilespmem:s16+$0x420] =	vst v0  }
0x1c: {  	[tilespmem:s16+$0x430] =	vst v0  }
0x1d: {  	[tilespmem:s16+$0x440] =	vst v0  }
0x1e: {  	[tilespmem:s16+$0x450] =	vst v0  }
0x1f: {  	[tilespmem:s16+$0x460] =	vst v0  }
0x20: {  	[tilespmem:s16+$0x470] =	vst v0  }
0x21: {  	[tilespmem:s16+$0x800] =	vst v0  }
0x22: {  	[tilespmem:s16+$0x810] =	vst v0  }
0x23: {  	[tilespmem:s16+$0x820] =	vst v0  }
0x24: {  	[tilespmem:s16+$0x830] =	vst v0  }
0x25: {  	[tilespmem:s16+$0x840] =	vst v0  }
0x26: {  	[tilespmem:s16+$0x850] =	vst v0  }
0x27: {  	[tilespmem:s16+$0x860] =	vst v0  }
0x28: {  	[tilespmem:s16+$0x870] =	vst v0  }
0x29: {  	[tilespmem:s16+$0xC00] =	vst v0  }
0x2a: {  	[tilespmem:s16+$0xC10] =	vst v0  }
0x2b: {  	[tilespmem:s16+$0xC20] =	vst v0  }
0x2c: {  	[tilespmem:s16+$0xC30] =	vst v0  }
0x2d: {  	s18 =	simm.s32 $0x200;
	s17 =	simm.s32 $0x80;
	[tilespmem:s16+$0xC40] =	vst v0  }
0x2e: {  	s19 =	sand.u32 $0x7000, s18;
	s18 =	simm.s32 $0x400;
	s20 =	sand.u32 $0x380, s17;
	[tilespmem:s16+$0xC50] =	vst v0  }
.LBB2_2:
0x2f: {  	p0 =	sne.s32 s18, $0x4E00;
	[tilespmem:s16+$0xC60] =	vst v0;
	s16 =	sor.u32 s20, s19  }
0x30: {  	[tilespmem:s16+$0xC70] =	vst v0  }
0x31: {  	[tilespmem:s16+$0x0] =	vst v0  }
0x32: {  	[tilespmem:s16+$0x10] =	vst v0  }
0x33: {  	[tilespmem:s16+$0x20] =	vst v0  }
0x34: {  	[tilespmem:s16+$0x30] =	vst v0  }
0x35: {  	[tilespmem:s16+$0x40] =	vst v0  }
0x36: {  	[tilespmem:s16+$0x50] =	vst v0  }
0x37: {  	[tilespmem:s16+$0x60] =	vst v0  }
0x38: {  	[tilespmem:s16+$0x70] =	vst v0  }
0x39: {  	[tilespmem:s16+$0x400] =	vst v0  }
0x3a: {  	[tilespmem:s16+$0x410] =	vst v0  }
0x3b: {  	[tilespmem:s16+$0x420] =	vst v0  }
0x3c: {  	[tilespmem:s16+$0x430] =	vst v0  }
0x3d: {  	[tilespmem:s16+$0x440] =	vst v0  }
0x3e: {  	[tilespmem:s16+$0x450] =	vst v0  }
0x3f: {  	[tilespmem:s16+$0x460] =	vst v0  }
0x40: {  	[tilespmem:s16+$0x470] =	vst v0  }
0x41: {  	[tilespmem:s16+$0x800] =	vst v0  }
0x42: {  	[tilespmem:s16+$0x810] =	vst v0  }
0x43: {  	[tilespmem:s16+$0x820] =	vst v0  }
0x44: {  	[tilespmem:s16+$0x830] =	vst v0  }
0x45: {  	[tilespmem:s16+$0x840] =	vst v0  }
0x46: {  	[tilespmem:s16+$0x850] =	vst v0  }
0x47: {  	[tilespmem:s16+$0x860] =	vst v0  }
0x48: {  	[tilespmem:s16+$0x870] =	vst v0  }
0x49: {  	[tilespmem:s16+$0xC00] =	vst v0  }
.Ltmp0:
0x4a: {  	[tilespmem:s16+$0xC10] =	vst v0;
	(pc) =	sbr.rel @p0 .LBB2_2-.Ltmp0, $4  }
0x4b: {  	[tilespmem:s16+$0xC20] =	vst v0  }
0x4c: {  	[tilespmem:s16+$0xC30] =	vst v0  }
0x4d: {  	s17 =	sadd.s32 $0x80, s17;
	[tilespmem:s16+$0xC40] =	vst v0  }
0x4e: {  	s19 =	sand.u32 $0x7000, s18;
	s18 =	sadd.s32 $0x200, s18;
	s20 =	sand.u32 $0x380, s17;
	[tilespmem:s16+$0xC50] =	vst v0  }
0x4f: {  	s17 =	sor.u32 s20, s19;
	[tilespmem:s16+$0xC60] =	vst v0  }
0x50: {  	[tilespmem:s17+$0xC70] =	vst v0  }
0x51: {  	[tilespmem:s17+$0x0] =	vst v0  }
0x52: {  	[tilespmem:s17+$0x10] =	vst v0  }
0x53: {  	[tilespmem:s17+$0x20] =	vst v0  }
0x54: {  	[tilespmem:s17+$0x30] =	vst v0  }
0x55: {  	[tilespmem:s17+$0x40] =	vst v0  }
0x56: {  	[tilespmem:s17+$0x50] =	vst v0  }
0x57: {  	[tilespmem:s17+$0x60] =	vst v0  }
0x58: {  	[tilespmem:s17+$0x70] =	vst v0  }
0x59: {  	[tilespmem:s17+$0x400] =	vst v0  }
0x5a: {  	[tilespmem:s17+$0x410] =	vst v0  }
0x5b: {  	[tilespmem:s17+$0x420] =	vst v0  }
0x5c: {  	[tilespmem:s17+$0x430] =	vst v0  }
0x5d: {  	[tilespmem:s17+$0x440] =	vst v0  }
0x5e: {  	[tilespmem:s17+$0x450] =	vst v0  }
0x5f: {  	[tilespmem:s17+$0x460] =	vst v0  }
0x60: {  	[tilespmem:s17+$0x470] =	vst v0  }
0x61: {  	[tilespmem:s17+$0x800] =	vst v0  }
0x62: {  	[tilespmem:s17+$0x810] =	vst v0  }
0x63: {  	[tilespmem:s17+$0x820] =	vst v0  }
0x64: {  	[tilespmem:s17+$0x830] =	vst v0  }
0x65: {  	[tilespmem:s17+$0x840] =	vst v0  }
0x66: {  	[tilespmem:s17+$0x850] =	vst v0  }
0x67: {  	[tilespmem:s17+$0x860] =	vst v0  }
0x68: {  	[tilespmem:s17+$0x870] =	vst v0  }
0x69: {  	[tilespmem:s17+$0xC00] =	vst v0  }
0x6a: {  	[tilespmem:s17+$0xC10] =	vst v0  }
0x6b: {  	[tilespmem:s17+$0xC20] =	vst v0  }
0x6c: {  	[tilespmem:s17+$0xC30] =	vst v0  }
0x6d: {  	[tilespmem:s17+$0xC40] =	vst v0  }
0x6e: {  	[tilespmem:s17+$0xC50] =	vst v0  }
0x6f: {  	s16 =	simm.s32 $0xA000;
	[tilespmem:s17+$0xC60] =	vst v0  }
0x70: {  	s18 =	simm.s32 $0x10;
	s17 =	simm.s32 $0x0;
	v3 =	vld [tilespmem:s16+$0x0]  }
.LBB2_4:
0x71: {  	p0 =	sne.s32 s18, $0x1F0;
	_ =	sdelay $0x1  }
0x72: {  	v4 =	vmov s17  }
0x73: {  	v5 =	vor.u32 s17, v1;
	s17 =	smov.u32 s18;
	v4 =	vshll.u32 v4, $0x3  }
0x74: {  	v5 =	vand.u32 $0x7F, v5;
	v4 =	vand.u32 $0xC00, v4;
	v6 =	vshll.u32 v3, $0x9  }
0x75: {  	v4 =	vor.u32 v4, v5;
	v7 =	vshll.u32 v3, $0x7;
	v6 =	vand.u32 $0xFFFFF000, v6  }
0x76: {  	vm0 =	vlt.u32 v3, $0x28;
	v3 =	vand.u32 $0x380, v7;
	v4 =	vor.u32 v6, v4  }
0x77: {  	v3 =	vor.u32 v3, v4;
	_ =	sdelay $0x1  }
.Ltmp1:
0x78: {  	(pc) =	sbr.rel @p0 .LBB2_4-.Ltmp1, $3  }
0x79: {  	_ =	sdelay $0x1  }
0x7a: {  	s16 =	sadd.s32 $0x10, s16;
	[tilespmem:v3+s2+$0x0] =	vst.idx.msk vm0, v2  }
0x7b: {  	s18 =	sadd.s32 $0x10, s18;
	v3 =	vld [tilespmem:s16+$0x0]  }
0x7c: {  	_ =	sdelay $0x1  }
0x7d: {  	v4 =	vmov s17  }
0x7e: {  	v5 =	vor.u32 s17, v1;
	v4 =	vshll.u32 v4, $0x3  }
0x7f: {  	v5 =	vand.u32 $0x7F, v5;
	v4 =	vand.u32 $0xC00, v4;
	v6 =	vshll.u32 v3, $0x9  }
0x80: {  	v4 =	vor.u32 v4, v5;
	v7 =	vshll.u32 v3, $0x7;
	v6 =	vand.u32 $0xFFFFF000, v6  }
0x81: {  	vm0 =	vlt.u32 v3, $0x28;
	v3 =	vand.u32 $0x380, v7;
	v4 =	vor.u32 v6, v4  }
0x82: {  	v3 =	vor.u32 v3, v4;
	_ =	sdelay $0x2  }
0x83: {  	s16 =	simm.s32 $0x0  }
0x84: {  	s31 =	sand.u32 $0x7000, s16;
	s18 =	sand.u32 $0x380, s16  }
0x85: {  	s17 =	sor.u32 s18, s31;
	[tilespmem:v3+s2+$0x0] =	vst.idx.msk vm0, v2  }
0x86: {  	[hbm4b:s3+s10] =	stream.strided.scatter [tilespmem:s16], [sflag:$0x1], $0x5000, s11, s10, $0x38;
	[tilespmem:$0xA200] =	vst v63  }
0x87: {  	[tilespmem:s17+$0x5C70] =	vst v0  }
0x88: {  	[tilespmem:s17+$0x5000] =	vst v0  }
0x89: {  	[tilespmem:s17+$0x5010] =	vst v0  }
0x8a: {  	[tilespmem:s17+$0x5020] =	vst v0  }
0x8b: {  	[tilespmem:s17+$0x5030] =	vst v0  }
0x8c: {  	[tilespmem:s17+$0x5040] =	vst v0  }
0x8d: {  	[tilespmem:s17+$0x5050] =	vst v0  }
0x8e: {  	[tilespmem:s17+$0x5060] =	vst v0  }
0x8f: {  	[tilespmem:s17+$0x5070] =	vst v0  }
0x90: {  	[tilespmem:s17+$0x5400] =	vst v0  }
0x91: {  	[tilespmem:s17+$0x5410] =	vst v0  }
0x92: {  	[tilespmem:s17+$0x5420] =	vst v0  }
0x93: {  	[tilespmem:s17+$0x5430] =	vst v0  }
0x94: {  	[tilespmem:s17+$0x5440] =	vst v0  }
0x95: {  	[tilespmem:s17+$0x5450] =	vst v0  }
0x96: {  	[tilespmem:s17+$0x5460] =	vst v0  }
0x97: {  	[tilespmem:s17+$0x5470] =	vst v0  }
0x98: {  	[tilespmem:s17+$0x5800] =	vst v0  }
0x99: {  	[tilespmem:s17+$0x5810] =	vst v0  }
0x9a: {  	[tilespmem:s17+$0x5820] =	vst v0  }
0x9b: {  	[tilespmem:s17+$0x5830] =	vst v0  }
0x9c: {  	[tilespmem:s17+$0x5840] =	vst v0  }
0x9d: {  	[tilespmem:s17+$0x5850] =	vst v0  }
0x9e: {  	[tilespmem:s17+$0x5860] =	vst v0  }
0x9f: {  	[tilespmem:s17+$0x5870] =	vst v0  }
0xa0: {  	[tilespmem:s17+$0x5C00] =	vst v0  }
0xa1: {  	[tilespmem:s17+$0x5C10] =	vst v0  }
0xa2: {  	[tilespmem:s17+$0x5C20] =	vst v0  }
0xa3: {  	[tilespmem:s17+$0x5C30] =	vst v0  }
0xa4: {  	s19 =	simm.s32 $0x200;
	s18 =	simm.s32 $0x80;
	[tilespmem:s17+$0x5C40] =	vst v0  }
0xa5: {  	s20 =	sand.u32 $0x7000, s19;
	s19 =	simm.s32 $0x400;
	s21 =	sand.u32 $0x380, s18;
	[tilespmem:s17+$0x5C50] =	vst v0  }
.LBB2_6:
0xa6: {  	p0 =	sne.s32 s19, $0x4E00;
	[tilespmem:s17+$0x5C60] =	vst v0;
	s17 =	sor.u32 s21, s20  }
0xa7: {  	[tilespmem:s17+$0x5C70] =	vst v0  }
0xa8: {  	[tilespmem:s17+$0x5000] =	vst v0  }
0xa9: {  	[tilespmem:s17+$0x5010] =	vst v0  }
0xaa: {  	[tilespmem:s17+$0x5020] =	vst v0  }
0xab: {  	[tilespmem:s17+$0x5030] =	vst v0  }
0xac: {  	[tilespmem:s17+$0x5040] =	vst v0  }
0xad: {  	[tilespmem:s17+$0x5050] =	vst v0  }
0xae: {  	[tilespmem:s17+$0x5060] =	vst v0  }
0xaf: {  	[tilespmem:s17+$0x5070] =	vst v0  }
0xb0: {  	[tilespmem:s17+$0x5400] =	vst v0  }
0xb1: {  	[tilespmem:s17+$0x5410] =	vst v0  }
0xb2: {  	[tilespmem:s17+$0x5420] =	vst v0  }
0xb3: {  	[tilespmem:s17+$0x5430] =	vst v0  }
0xb4: {  	[tilespmem:s17+$0x5440] =	vst v0  }
0xb5: {  	[tilespmem:s17+$0x5450] =	vst v0  }
0xb6: {  	[tilespmem:s17+$0x5460] =	vst v0  }
0xb7: {  	[tilespmem:s17+$0x5470] =	vst v0  }
0xb8: {  	[tilespmem:s17+$0x5800] =	vst v0  }
0xb9: {  	[tilespmem:s17+$0x5810] =	vst v0  }
0xba: {  	[tilespmem:s17+$0x5820] =	vst v0  }
0xbb: {  	[tilespmem:s17+$0x5830] =	vst v0  }
0xbc: {  	[tilespmem:s17+$0x5840] =	vst v0  }
0xbd: {  	[tilespmem:s17+$0x5850] =	vst v0  }
0xbe: {  	[tilespmem:s17+$0x5860] =	vst v0  }
0xbf: {  	[tilespmem:s17+$0x5870] =	vst v0  }
0xc0: {  	[tilespmem:s17+$0x5C00] =	vst v0  }
.Ltmp2:
0xc1: {  	[tilespmem:s17+$0x5C10] =	vst v0;
	(pc) =	sbr.rel @p0 .LBB2_6-.Ltmp2, $4  }
0xc2: {  	[tilespmem:s17+$0x5C20] =	vst v0  }
0xc3: {  	[tilespmem:s17+$0x5C30] =	vst v0  }
0xc4: {  	s18 =	sadd.s32 $0x80, s18;
	[tilespmem:s17+$0x5C40] =	vst v0  }
0xc5: {  	s20 =	sand.u32 $0x7000, s19;
	s19 =	sadd.s32 $0x200, s19;
	s21 =	sand.u32 $0x380, s18;
	[tilespmem:s17+$0x5C50] =	vst v0  }
0xc6: {  	s18 =	sor.u32 s21, s20;
	[tilespmem:s17+$0x5C60] =	vst v0  }
0xc7: {  	[tilespmem:s18+$0x5C70] =	vst v0  }
0xc8: {  	[tilespmem:s18+$0x5000] =	vst v0  }
0xc9: {  	[tilespmem:s18+$0x5010] =	vst v0  }
0xca: {  	[tilespmem:s18+$0x5020] =	vst v0  }
0xcb: {  	[tilespmem:s18+$0x5030] =	vst v0  }
0xcc: {  	[tilespmem:s18+$0x5040] =	vst v0  }
0xcd: {  	[tilespmem:s18+$0x5050] =	vst v0  }
0xce: {  	[tilespmem:s18+$0x5060] =	vst v0  }
0xcf: {  	[tilespmem:s18+$0x5070] =	vst v0  }
0xd0: {  	[tilespmem:s18+$0x5400] =	vst v0  }
0xd1: {  	[tilespmem:s18+$0x5410] =	vst v0  }
0xd2: {  	[tilespmem:s18+$0x5420] =	vst v0  }
0xd3: {  	[tilespmem:s18+$0x5430] =	vst v0  }
0xd4: {  	[tilespmem:s18+$0x5440] =	vst v0  }
0xd5: {  	[tilespmem:s18+$0x5450] =	vst v0  }
0xd6: {  	[tilespmem:s18+$0x5460] =	vst v0  }
0xd7: {  	[tilespmem:s18+$0x5470] =	vst v0  }
0xd8: {  	[tilespmem:s18+$0x5800] =	vst v0  }
0xd9: {  	[tilespmem:s18+$0x5810] =	vst v0  }
0xda: {  	[tilespmem:s18+$0x5820] =	vst v0  }
0xdb: {  	[tilespmem:s18+$0x5830] =	vst v0  }
0xdc: {  	[tilespmem:s18+$0x5840] =	vst v0  }
0xdd: {  	[tilespmem:s18+$0x5850] =	vst v0  }
0xde: {  	[tilespmem:s18+$0x5860] =	vst v0  }
0xdf: {  	[tilespmem:s18+$0x5870] =	vst v0  }
0xe0: {  	[tilespmem:s18+$0x5C00] =	vst v0  }
0xe1: {  	[tilespmem:s18+$0x5C10] =	vst v0  }
0xe2: {  	[tilespmem:s18+$0x5C20] =	vst v0  }
0xe3: {  	[tilespmem:s18+$0x5C30] =	vst v0  }
0xe4: {  	[tilespmem:s18+$0x5C40] =	vst v0  }
0xe5: {  	[tilespmem:s18+$0x5C50] =	vst v0  }
0xe6: {  	s17 =	simm.s32 $0xA000;
	[tilespmem:s18+$0x5C60] =	vst v0  }
0xe7: {  	s18 =	simm.s32 $0x10;
	v3 =	vld [tilespmem:s17+$0x0]  }
.LBB2_8:
0xe8: {  	p0 =	sne.s32 s18, $0x1F0;
	_ =	sdelay $0x1  }
0xe9: {  	v4 =	vmov s16;
	v5 =	vor.u32 s16, v1;
	s16 =	smov.u32 s18  }
0xea: {  	v5 =	vand.u32 $0x7F, v5;
	v4 =	vshll.u32 v4, $0x3  }
0xeb: {  	v4 =	vand.u32 $0xC00, v4;
	v6 =	vadd.s32 $0xFFFFFFD8, v3;
	v3 =	vshll.u32 v3, $0x7  }
0xec: {  	v4 =	vor.u32 v4, v5;
	v7 =	vshll.u32 v6, $0x9;
	v3 =	vand.u32 $0x380, v3  }
0xed: {  	vm0 =	vlt.u32 v6, $0x28;
	v5 =	vand.u32 $0xFFFFF000, v7;
	v3 =	vor.u32 v3, v4  }
0xee: {  	v3 =	vor.u32 v5, v3;
	_ =	sdelay $0x1  }
.Ltmp3:
0xef: {  	(pc) =	sbr.rel @p0 .LBB2_8-.Ltmp3, $3  }
0xf0: {  	_ =	sdelay $0x1  }
0xf1: {  	s17 =	sadd.s32 $0x10, s17;
	[tilespmem:v3+s12+$0x0] =	vst.idx.msk vm0, v2  }
0xf2: {  	s18 =	sadd.s32 $0x10, s18;
	v3 =	vld [tilespmem:s17+$0x0]  }
0xf3: {  	_ =	sdelay $0x1  }
0xf4: {  	v4 =	vmov s16;
	v5 =	vor.u32 s16, v1  }
0xf5: {  	v5 =	vand.u32 $0x7F, v5;
	v4 =	vshll.u32 v4, $0x3  }
0xf6: {  	v4 =	vand.u32 $0xC00, v4;
	v6 =	vadd.s32 $0xFFFFFFD8, v3;
	v3 =	vshll.u32 v3, $0x7  }
0xf7: {  	v4 =	vor.u32 v4, v5;
	v7 =	vshll.u32 v6, $0x9;
	v3 =	vand.u32 $0x380, v3  }
0xf8: {  	vm0 =	vlt.u32 v6, $0x28;
	v63 =	vand.u32 $0xFFFFF000, v7;
	v3 =	vor.u32 v3, v4  }
0xf9: {  	v3 =	vor.u32 v63, v3;
	_ =	sdelay $0x4  }
0xfa: {  	s16 =	simm.s32 $0x1;
	[tilespmem:v3+s12+$0x0] =	vst.idx.msk vm0, v2  }
0xfb: {  	[hbm4b:s5+s10] =	stream.strided.scatter [tilespmem:s12], [sflag:$0x2], $0x5000, s11, s10, $0x38;
	[tilespmem:$0xA200] =	vst v63  }
.LBB2_10:
0xfc: {  	s17 =	smul.u32 $0x50, s16;
	_ =	swait.ge [sflag:s13], $0x5000  }
0xfd: {  	[sflag:s13] =	ssyncset.done $0x0  }
0xfe: {  	s19 =	simm.s32 $0xA000;
	s18 =	sadd.s32 $0xFFFFFFB0, s17;
	[sflag:s13] =	ssyncadd.s32 $0xFFFFB000  }
0xff: {  	s20 =	simm.s32 $0x10;
	v3 =	vmov s18;
	s18 =	simm.s32 $0x0;
	v4 =	vld [tilespmem:s19+$0x0]  }
.LBB2_11:
0x100: {  	p0 =	seq.s32 s20, $0x1F0;
	_ =	sdelay $0x1  }
0x101: {  	v5 =	vmov s18;
	v6 =	vor.u32 s18, v1;
	s18 =	smov.u32 s20  }
0x102: {  	v6 =	vand.u32 $0x7F, v6;
	v5 =	vshll.u32 v5, $0x3  }
0x103: {  	v5 =	vand.u32 $0xC00, v5;
	v7 =	vsub.s32 v4, v3;
	v4 =	vshll.u32 v4, $0x7  }
0x104: {  	v5 =	vor.u32 v5, v6;
	v8 =	vshll.u32 v7, $0x9;
	v4 =	vand.u32 $0x380, v4  }
0x105: {  	vm0 =	vlt.u32 v7, $0x28;
	v6 =	vand.u32 $0xFFFFF000, v8;
	v4 =	vor.u32 v4, v5  }
0x106: {  	v4 =	vor.u32 v6, v4;
	_ =	sdelay $0x1  }
.Ltmp4:
0x107: {  	(pc) =	sbr.rel @!p0 .LBB2_11-.Ltmp4, $3  }
0x108: {  	_ =	sdelay $0x1  }
0x109: {  	s19 =	sadd.s32 $0x10, s19;
	[tilespmem:v4+s2+$0x0] =	vst.idx.msk vm0, v0  }
0x10a: {  	s20 =	sadd.s32 $0x10, s20;
	v4 =	vld [tilespmem:s19+$0x0]  }
0x10b: {  	_ =	sdelay $0x1  }
0x10c: {  	v5 =	vmov s18;
	v6 =	vor.u32 s18, v1  }
0x10d: {  	v6 =	vand.u32 $0x7F, v6;
	v5 =	vshll.u32 v5, $0x3  }
0x10e: {  	v5 =	vand.u32 $0xC00, v5;
	v3 =	vsub.s32 v4, v3;
	v4 =	vshll.u32 v4, $0x7  }
0x10f: {  	v5 =	vor.u32 v5, v6;
	v7 =	vshll.u32 v3, $0x9;
	v4 =	vand.u32 $0x380, v4  }
0x110: {  	vm0 =	vlt.u32 v3, $0x28;
	v3 =	vand.u32 $0xFFFFF000, v7;
	v4 =	vor.u32 v4, v5  }
0x111: {  	v3 =	vor.u32 v3, v4;
	_ =	sdelay $0x4  }
0x112: {  	s19 =	simm.s32 $0xA000;
	[tilespmem:v3+s2+$0x0] =	vst.idx.msk vm0, v0  }
0x113: {  	s18 =	simm.s32 $0x0;
	s20 =	simm.s32 $0x10;
	v3 =	vmov s17;
	v4 =	vld [tilespmem:s19+$0x0]  }
.LBB2_13:
0x114: {  	p0 =	sne.s32 s20, $0x1F0;
	_ =	sdelay $0x1  }
0x115: {  	v5 =	vmov s18;
	v6 =	vor.u32 s18, v1;
	s18 =	smov.u32 s20  }
0x116: {  	v6 =	vand.u32 $0x7F, v6;
	v5 =	vshll.u32 v5, $0x3  }
0x117: {  	v5 =	vand.u32 $0xC00, v5;
	v7 =	vsub.s32 v4, v3;
	v4 =	vshll.u32 v4, $0x7  }
0x118: {  	v5 =	vor.u32 v5, v6;
	v8 =	vshll.u32 v7, $0x9;
	v4 =	vand.u32 $0x380, v4  }
0x119: {  	vm0 =	vlt.u32 v7, $0x28;
	v6 =	vand.u32 $0xFFFFF000, v8;
	v4 =	vor.u32 v4, v5  }
0x11a: {  	v4 =	vor.u32 v6, v4;
	_ =	sdelay $0x1  }
.Ltmp5:
0x11b: {  	(pc) =	sbr.rel @p0 .LBB2_13-.Ltmp5, $3  }
0x11c: {  	_ =	sdelay $0x1  }
0x11d: {  	s19 =	sadd.s32 $0x10, s19;
	[tilespmem:v4+s2+$0x0] =	vst.idx.msk vm0, v2  }
0x11e: {  	s20 =	sadd.s32 $0x10, s20;
	v4 =	vld [tilespmem:s19+$0x0]  }
0x11f: {  	_ =	sdelay $0x1  }
0x120: {  	v5 =	vmov s18;
	v6 =	vor.u32 s18, v1  }
0x121: {  	v6 =	vand.u32 $0x7F, v6;
	v5 =	vshll.u32 v5, $0x3  }
0x122: {  	v5 =	vand.u32 $0xC00, v5;
	v3 =	vsub.s32 v4, v3;
	v4 =	vshll.u32 v4, $0x7  }
0x123: {  	v5 =	vor.u32 v5, v6;
	v7 =	vshll.u32 v3, $0x9;
	v4 =	vand.u32 $0x380, v4  }
0x124: {  	vm0 =	vlt.u32 v3, $0x28;
	v3 =	vand.u32 $0xFFFFF000, v7;
	v4 =	vor.u32 v4, v5  }
0x125: {  	v3 =	vor.u32 v3, v4;
	_ =	sdelay $0x2  }
0x126: {  	s30 =	smul.u32 $0x28000, s16;
	_ =	sdelay $0x1  }
0x127: {  	s18 =	simm.s32 $0x0;
	s19 =	sadd.s32 s30, s3;
	[tilespmem:v3+s2+$0x0] =	vst.idx.msk vm0, v2  }
0x128: {  	[hbm4b:s19+s10] =	stream.strided.scatter [tilespmem:s18], [sflag:$0x1], $0x5000, s11, s10, $0x38;
	[tilespmem:$0xA200] =	vst v63  }
0x129: {  	_ =	swait.ge [sflag:s14], $0x5000  }
0x12a: {  	[sflag:s14] =	ssyncset.done $0x0  }
0x12b: {  	s31 =	sadd.s32 $0xFFFFFFD8, s17;
	s19 =	simm.s32 $0xA000;
	[sflag:s14] =	ssyncadd.s32 $0xFFFFB000  }
0x12c: {  	s20 =	simm.s32 $0x10;
	v3 =	vmov s31;
	v4 =	vld [tilespmem:s19+$0x0]  }
.LBB2_15:
0x12d: {  	p0 =	seq.s32 s20, $0x1F0;
	_ =	sdelay $0x1  }
0x12e: {  	v5 =	vmov s18;
	v6 =	vor.u32 s18, v1;
	s18 =	smov.u32 s20  }
0x12f: {  	v6 =	vand.u32 $0x7F, v6;
	v5 =	vshll.u32 v5, $0x3  }
0x130: {  	v5 =	vand.u32 $0xC00, v5;
	v7 =	vsub.s32 v4, v3;
	v4 =	vshll.u32 v4, $0x7  }
0x131: {  	v5 =	vor.u32 v5, v6;
	v8 =	vshll.u32 v7, $0x9;
	v4 =	vand.u32 $0x380, v4  }
0x132: {  	vm0 =	vlt.u32 v7, $0x28;
	v6 =	vand.u32 $0xFFFFF000, v8;
	v4 =	vor.u32 v4, v5  }
0x133: {  	v4 =	vor.u32 v6, v4;
	_ =	sdelay $0x1  }
.Ltmp6:
0x134: {  	(pc) =	sbr.rel @!p0 .LBB2_15-.Ltmp6, $3  }
0x135: {  	_ =	sdelay $0x1  }
0x136: {  	s19 =	sadd.s32 $0x10, s19;
	[tilespmem:v4+s12+$0x0] =	vst.idx.msk vm0, v0  }
0x137: {  	s20 =	sadd.s32 $0x10, s20;
	v4 =	vld [tilespmem:s19+$0x0]  }
0x138: {  	_ =	sdelay $0x1  }
0x139: {  	v5 =	vmov s18;
	v6 =	vor.u32 s18, v1  }
0x13a: {  	v6 =	vand.u32 $0x7F, v6;
	v5 =	vshll.u32 v5, $0x3  }
0x13b: {  	v5 =	vand.u32 $0xC00, v5;
	v3 =	vsub.s32 v4, v3;
	v4 =	vshll.u32 v4, $0x7  }
0x13c: {  	v5 =	vor.u32 v5, v6;
	v7 =	vshll.u32 v3, $0x9;
	v4 =	vand.u32 $0x380, v4  }
0x13d: {  	vm0 =	vlt.u32 v3, $0x28;
	v3 =	vand.u32 $0xFFFFF000, v7;
	v4 =	vor.u32 v4, v5  }
0x13e: {  	v3 =	vor.u32 v3, v4;
	_ =	sdelay $0x4  }
0x13f: {  	s17 =	sadd.s32 $0x28, s17;
	s19 =	simm.s32 $0xA000;
	[tilespmem:v3+s12+$0x0] =	vst.idx.msk vm0, v0  }
0x140: {  	s18 =	simm.s32 $0x0;
	s20 =	simm.s32 $0x10;
	v3 =	vmov s17;
	v4 =	vld [tilespmem:s19+$0x0]  }
.LBB2_17:
0x141: {  	p0 =	sne.s32 s20, $0x1F0;
	_ =	sdelay $0x1  }
0x142: {  	v5 =	vmov s18;
	v6 =	vor.u32 s18, v1;
	s18 =	smov.u32 s20  }
0x143: {  	v6 =	vand.u32 $0x7F, v6;
	v5 =	vshll.u32 v5, $0x3  }
0x144: {  	v5 =	vand.u32 $0xC00, v5;
	v7 =	vsub.s32 v4, v3;
	v4 =	vshll.u32 v4, $0x7  }
0x145: {  	v5 =	vor.u32 v5, v6;
	v8 =	vshll.u32 v7, $0x9;
	v4 =	vand.u32 $0x380, v4  }
0x146: {  	vm0 =	vlt.u32 v7, $0x28;
	v6 =	vand.u32 $0xFFFFF000, v8;
	v4 =	vor.u32 v4, v5  }
0x147: {  	v4 =	vor.u32 v6, v4;
	_ =	sdelay $0x1  }
.Ltmp7:
0x148: {  	(pc) =	sbr.rel @p0 .LBB2_17-.Ltmp7, $3  }
0x149: {  	_ =	sdelay $0x1  }
0x14a: {  	s19 =	sadd.s32 $0x10, s19;
	[tilespmem:v4+s12+$0x0] =	vst.idx.msk vm0, v2  }
0x14b: {  	s20 =	sadd.s32 $0x10, s20;
	v4 =	vld [tilespmem:s19+$0x0]  }
0x14c: {  	_ =	sdelay $0x1  }
0x14d: {  	v5 =	vmov s18;
	v6 =	vor.u32 s18, v1  }
0x14e: {  	v6 =	vand.u32 $0x7F, v6;
	v5 =	vshll.u32 v5, $0x3  }
0x14f: {  	v5 =	vand.u32 $0xC00, v5;
	v3 =	vsub.s32 v4, v3;
	v63 =	vshll.u32 v4, $0x7  }
0x150: {  	v5 =	vor.u32 v5, v6;
	v7 =	vshll.u32 v3, $0x9;
	v4 =	vand.u32 $0x380, v63  }
0x151: {  	vm0 =	vlt.u32 v3, $0x28;
	v3 =	vand.u32 $0xFFFFF000, v7;
	v4 =	vor.u32 v4, v5  }
0x152: {  	s16 =	sadd.s32 $0x1, s16;
	v3 =	vor.u32 v3, v4  }
0x153: {  	p0 =	sne.s32 s16, $0xC  }
.Ltmp8:
0x154: {  	_ = 	snop;
	(pc) =	sbr.rel @p0 .LBB2_10-.Ltmp8, $4  }
0x155: {  	_ = 	snop  }
0x156: {  	s17 =	sshll.u32 s17, $0xB  }
0x157: {  	s17 =	sadd.s32 s17, s3;
	[tilespmem:v3+s12+$0x0] =	vst.idx.msk vm0, v2  }
0x158: {  	[hbm4b:s17+s10] =	stream.strided.scatter [tilespmem:s12], [sflag:$0x2], $0x5000, s11, s10, $0x38;
	[tilespmem:$0xA200] =	vst v63  }
0x159: {  	_ =	swait.ge [sflag:s13], $0x5000  }
0x15a: {  	[sflag:s13] =	ssyncset.done $0x0  }
0x15b: {  	s16 =	simm.s32 $0x0;
	s17 =	simm.s32 $0xA000;
	[sflag:s13] =	ssyncadd.s32 $0xFFFFB000  }
0x15c: {  	s19 =	simm.s32 $0x10;
	s18 =	simm.s32 $0x0;
	s20 =	simm.s32 $0xA000;
	v3 =	vld [tilespmem:s17+$0x0]  }
.LBB2_20:
0x15d: {  	p0 =	sne.s32 s19, $0x1F0;
	_ =	sdelay $0x1  }
0x15e: {  	v4 =	vmov s18;
	v5 =	vor.u32 s18, v1;
	s18 =	smov.u32 s19  }
0x15f: {  	v5 =	vand.u32 $0x7F, v5;
	v4 =	vshll.u32 v4, $0x3  }
0x160: {  	v4 =	vand.u32 $0xC00, v4;
	v6 =	vadd.s32 $0xFFFFFC90, v3;
	v3 =	vshll.u32 v3, $0x7  }
0x161: {  	v4 =	vor.u32 v4, v5;
	v7 =	vshll.u32 v6, $0x9;
	v3 =	vand.u32 $0x380, v3  }
0x162: {  	vm0 =	vlt.u32 v6, $0x28;
	v5 =	vand.u32 $0xFFFFF000, v7;
	v3 =	vor.u32 v3, v4  }
0x163: {  	v3 =	vor.u32 v5, v3;
	_ =	sdelay $0x1  }
.Ltmp9:
0x164: {  	(pc) =	sbr.rel @p0 .LBB2_20-.Ltmp9, $3  }
0x165: {  	_ =	sdelay $0x1  }
0x166: {  	s20 =	sadd.s32 $0x10, s20;
	[tilespmem:v3+s16+$0x0] =	vst.idx.msk vm0, v0  }
0x167: {  	s19 =	sadd.s32 $0x10, s19;
	v3 =	vld [tilespmem:s20+$0x0]  }
0x168: {  	_ =	sdelay $0x1  }
0x169: {  	v4 =	vmov s18;
	v5 =	vor.u32 s18, v1  }
0x16a: {  	v5 =	vand.u32 $0x7F, v5;
	v4 =	vshll.u32 v4, $0x3  }
0x16b: {  	v4 =	vand.u32 $0xC00, v4;
	v6 =	vadd.s32 $0xFFFFFC90, v3;
	v3 =	vshll.u32 v3, $0x7  }
0x16c: {  	v4 =	vor.u32 v4, v5;
	v7 =	vshll.u32 v6, $0x9;
	v3 =	vand.u32 $0x380, v3  }
0x16d: {  	vm0 =	vlt.u32 v6, $0x28;
	v5 =	vand.u32 $0xFFFFF000, v7;
	v3 =	vor.u32 v3, v4  }
0x16e: {  	v3 =	vor.u32 v5, v3;
	_ =	sdelay $0x4  }
0x16f: {  	[tilespmem:v3+s16+$0x0] =	vst.idx.msk vm0, v0  }
0x170: {  	s18 =	simm.s32 $0x10;
	v3 =	vld [tilespmem:s17+$0x0]  }
.LBB2_22:
0x171: {  	p0 =	sne.s32 s18, $0x1F0;
	_ =	sdelay $0x1  }
0x172: {  	v4 =	vmov s16;
	v5 =	vor.u32 s16, v1;
	s16 =	smov.u32 s18  }
0x173: {  	v5 =	vand.u32 $0x7F, v5;
	v4 =	vshll.u32 v4, $0x3  }
0x174: {  	v4 =	vand.u32 $0xC00, v4;
	v6 =	vadd.s32 $0xFFFFFC40, v3;
	v3 =	vshll.u32 v3, $0x7  }
0x175: {  	v4 =	vor.u32 v4, v5;
	v7 =	vshll.u32 v6, $0x9;
	v3 =	vand.u32 $0x380, v3  }
0x176: {  	vm0 =	vlt.u32 v6, $0x28;
	v5 =	vand.u32 $0xFFFFF000, v7;
	v3 =	vor.u32 v3, v4  }
0x177: {  	v3 =	vor.u32 v5, v3;
	_ =	sdelay $0x1  }
.Ltmp10:
0x178: {  	(pc) =	sbr.rel @p0 .LBB2_22-.Ltmp10, $3  }
0x179: {  	_ =	sdelay $0x1  }
0x17a: {  	s17 =	sadd.s32 $0x10, s17;
	[tilespmem:v3+s2+$0x0] =	vst.idx.msk vm0, v2  }
0x17b: {  	s18 =	sadd.s32 $0x10, s18;
	v3 =	vld [tilespmem:s17+$0x0]  }
0x17c: {  	_ =	sdelay $0x1  }
0x17d: {  	v4 =	vmov s16;
	v5 =	vor.u32 s16, v1  }
0x17e: {  	v5 =	vand.u32 $0x7F, v5;
	v4 =	vshll.u32 v4, $0x3  }
0x17f: {  	v4 =	vand.u32 $0xC00, v4;
	v6 =	vadd.s32 $0xFFFFFC40, v3;
	v3 =	vshll.u32 v3, $0x7  }
0x180: {  	v4 =	vor.u32 v4, v5;
	v7 =	vshll.u32 v6, $0x9;
	v3 =	vand.u32 $0x380, v3  }
0x181: {  	vm0 =	vlt.u32 v6, $0x28;
	v63 =	vand.u32 $0xFFFFF000, v7;
	v3 =	vor.u32 v3, v4  }
0x182: {  	v3 =	vor.u32 v63, v3;
	_ =	sdelay $0x4  }
0x183: {  	s15 =	sadd.s32 $0x1, s15;
	[tilespmem:v3+s2+$0x0] =	vst.idx.msk vm0, v2  }
0x184: {  	[hbm4b:s6+s10] =	stream.strided.scatter [tilespmem:s2], [sflag:$0x1], $0x5000, s11, s10, $0x38;
	[tilespmem:$0xA200] =	vst v63  }
0x185: {  	p0 =	sne.s32 s15, s7;
	_ =	swait.ge [sflag:s14], $0x5000  }
.Ltmp11:
0x186: {  	[sflag:s14] =	ssyncset.done $0x0;
	(pc) =	sbr.rel @p0 .LBB2_1-.Ltmp11, $4  }
0x187: {  	[sflag:s14] =	ssyncadd.s32 $0xFFFFB000  }
0x188: {  	_ =	swait.ge [sflag:s13], $0x5000  }
0x189: {  	[sflag:s13] =	ssyncset.done $0x0  }
0x18a: {  	[sflag:s13] =	ssyncadd.s32 $0xFFFFB000  }
0x18b: {  	_ =	sfence.sel $0x180000  }
0x18c: {  	[bflag:$0x0] =	sbarrier.arrive $0xFFFF  }
0x18d: {  	p0 =	sne.s32 s1, $0x0;
	_ =	strace $0x90000047  }
0x18e: {  	s0 =	sadd.s32 @!p0 $0x100000, s0;
	[bflag:$0x2] =	sbarrier.arrive $0xFFFF  }
0x18f: {  	[sflag:s0] =	ssyncadd.tile.s32 @!p0 $0x1;
	_ =	shalt  }
.Lfunc_end2:
_tile_overlayer_lowered:
.L_overlay_start_2:
0x190: {  	(tag) =	ssettag $0x2  }
0x191: {  	s0 =	rddreg [dreg:$0x0];
	s2 =	stileid.u32  }
0x192: {  	s1 =	rddreg [dreg:$0x1];
	p0 =	sne.s32 s2, $0x0  }
0x193: {  	s3 =	rddreg [dreg:$0x2];
	[bflag:$0x3] =	sbarrier.arrive $0xFFFF;
	s2 =	simm.s32 @!p0 $0x1C03  }
0x194: {  	[timem:s3], [sflag:s2] =	dma.local @!p0 [hbm:s0], s1  }
0x195: {  	s0 =	simm.s32 @!p0 $0x3  }
0x196: {  	_ =	swait.ge @!p0 [sflag:s0], s1  }
0x197: {  	s1 =	ssub.s32 @!p0 $0x0, s1;
	[sflag:s0] =	ssyncset.done @!p0 $0x0  }
0x198: {  	[sflag:s0] =	ssyncadd.s32 @!p0 s1  }
0x199: {  	[bflag:$0x3] =	sbarrier.arrive $0xFFFF  }
0x19a: {  	_ =	shalt  }

</sc_bundles>
